<compile_context>
chip_gen: v7x
topology: tpu7x:2x2x1
jax: 0.10.2.dev20260603
libtpu: 0.0.44.dev20260713+nightly
codegen_flags: <defaults>
</compile_context>

<pallas_src>
import functools

import jax
import jax.numpy as jnp
from jax import lax
from jax.experimental import pallas as pl
from jax.experimental.pallas import tpu as pltpu
from jax.experimental.pallas import tpu_sc as plsc

_VOCAB = 262144
_D = 1152
_B = 32768
_NC = 2
_NS = 16
_NW = _NC * _NS
_BPW = _B // _NW
_C = 32
_NBUF = 3
_NCHUNK = _BPW // _C
_NGRP = 9

_mesh = plsc.VectorSubcoreMesh(
    core_axis_name="c", subcore_axis_name="s", num_cores=_NC, num_subcores=_NS
)


@functools.partial(
    pl.kernel,
    out_type=jax.ShapeDtypeStruct((_B, _D), jnp.float32),
    mesh=_mesh,
    scratch_types=[
        pltpu.VMEM((_BPW,), jnp.int32),
        pltpu.VMEM((_NBUF, _C, _D), jnp.float32),
        pltpu.SemaphoreType.DMA((_NBUF,)),
        pltpu.SemaphoreType.DMA((_NBUF,)),
    ],
)
def _gather(idx_hbm, table_hbm, out_hbm, idx_v, rows, gsem, ssem):
    wid = lax.axis_index("s") * _NC + lax.axis_index("c")
    base = wid * _BPW
    pltpu.sync_copy(idx_hbm.at[pl.ds(base, _BPW)], idx_v)

    def gather_desc(i, b):
        src = table_hbm.at[idx_v.at[pl.ds(i * _C, _C)]]
        return pltpu.make_async_copy(src, rows.at[b], gsem.at[b])

    def scatter_desc(i, b):
        return pltpu.make_async_copy(
            rows.at[b], out_hbm.at[pl.ds(base + i * _C, _C)], ssem.at[b]
        )

    for b in range(_NBUF):
        gather_desc(b, b).start()

    def group(p, carry):
        j = 3 * p
        for b in range(_NBUF):
            gather_desc(j + b, b).wait()
            scatter_desc(j + b, b).start()
        for b in range(_NBUF):
            scatter_desc(j + b, b).wait()
            gather_desc(j + 3 + b, b).start()
        return carry

    lax.fori_loop(0, _NGRP, group, 0)

    j = 3 * _NGRP
    for b in range(_NBUF):
        gather_desc(j + b, b).wait()
        scatter_desc(j + b, b).start()
    for k, b in ((j + 3, 0), (j + 4, 1)):
        scatter_desc(k - 3, b).wait()
        gather_desc(k, b).start()
    for k, b in ((j + 3, 0), (j + 4, 1)):
        gather_desc(k, b).wait()
        scatter_desc(k, b).start()
    scatter_desc(j + 2, 2).wait()
    scatter_desc(j + 3, 0).wait()
    scatter_desc(j + 4, 1).wait()


def kernel(token_ids, table):
    ids = token_ids.reshape(-1).astype(jnp.int32)
    out = _gather(ids, table)
    return out.reshape(token_ids.shape + (table.shape[1],))

# --- scband reference (transcript-rebuilt; emitter-appended) ---
"""Pipeline reference for scband-gemma3-embedder-fp32-20667382628594 (READ-ONLY COPY).

The authoritative reference and input builder live on the scoring server;
editing this copy changes nothing except your own understanding.
"""

import jax, jax.numpy as jnp
import numpy as np

VOCAB_SIZE = 262144
EMBEDDING_DIM = 1152

def setup_inputs(seed: int = 0) -> dict:
    key = jax.random.key(seed)
    k1, k2 = jax.random.split(key)
    token_ids = jax.random.randint(k1, (4, 8192), 0, VOCAB_SIZE, dtype=jnp.int64 if jax.config.jax_enable_x64 else jnp.int32)
    # nn.Embedding default init: N(0, 1)
    table = jax.random.normal(k2, (VOCAB_SIZE, EMBEDDING_DIM), dtype=jnp.float32)
    return {"token_ids": token_ids, "table": table}

def reference(token_ids, table):
    # nn.Embedding forward: gather rows of the embedding table
    return jnp.take(table, token_ids, axis=0)

if __name__ == "__main__":
    import jax
    _d = setup_inputs()
    print(jax.jit(kernel)(*tuple(_d.values())))

</pallas_src>

<mosaic_0001>
#map = affine_map<(d0, d1) -> (0)>
#map1 = affine_map<(d0, d1) -> (0, 0)>
module attributes {stable_mosaic.version = 14 : i64} {
  func.func @_gather(%arg0: i32, %arg1: i32, %arg2: memref<32768xi32, #tpu.memory_space<hbm>>, %arg3: memref<262144x1152xf32, #tpu.memory_space<hbm>>, %arg4: memref<32768x1152xf32, #tpu.memory_space<hbm>>, %arg5: memref<1024xi32, #tpu.memory_space<vmem>>, %arg6: memref<3x32x1152xf32, #tpu.memory_space<vmem>>, %arg7: memref<3x!tpu.dma_semaphore, #tpu.memory_space<semaphore_mem>>, %arg8: memref<3x!tpu.dma_semaphore, #tpu.memory_space<semaphore_mem>>) attributes {dimension_semantics = [#tpu.dimension_semantics<core_parallel>, #tpu.dimension_semantics<subcore_parallel>], iteration_bounds = array<i64: 2, 16>, scalar_prefetch = 0 : i64, scratch_operands = 4 : i64, tpu.core_type = #tpu.core_type<sc_vector_subcore>, window_params = [{transform_indices = #map}, {transform_indices = #map1}, {transform_indices = #map1}]} {
    %mul3A = arith.constant 2 : i32
    %mul3A_0 = arith.muli %arg1, %mul3A : i32
    %add3A = arith.addi %mul3A_0, %arg0 : i32
    %mul3A_1 = arith.constant 1024 : i32
    %mul3A_2 = arith.muli %add3A, %mul3A_1 : i32
    "tpu.region"() ({
      %run_scoped3A = tpu.sem_alloc : memref<!tpu.dma_semaphore, #tpu.memory_space<semaphore_mem>>
      %dma_start3A_316 = tpu.memref_slice %arg2[%mul3A_2] : memref<32768xi32, #tpu.memory_space<hbm>> -> memref<1024xi32, #tpu.memory_space<hbm>>
      %dma_start3A_317 = tpu.memref_slice %arg2[%mul3A_2] : memref<32768xi32, #tpu.memory_space<hbm>> -> memref<1024xi32, #tpu.memory_space<hbm>>
      tpu.enqueue_dma source(%dma_start3A_317 : memref<1024xi32, #tpu.memory_space<hbm>>) target(%arg5 : memref<1024xi32, #tpu.memory_space<vmem>>) target_semaphore(%run_scoped3A : memref<!tpu.dma_semaphore, #tpu.memory_space<semaphore_mem>>)
      %dma_wait3A_318 = tpu.memref_slice %arg2[%mul3A_2] : memref<32768xi32, #tpu.memory_space<hbm>> -> memref<1024xi32, #tpu.memory_space<hbm>>
      %dma_wait3A_319 = tpu.memref_slice %arg2[%mul3A_2] : memref<32768xi32, #tpu.memory_space<hbm>> -> memref<1024xi32, #tpu.memory_space<hbm>>
      tpu.wait_dma2 semaphore(%run_scoped3A : memref<!tpu.dma_semaphore, #tpu.memory_space<semaphore_mem>>) src(%dma_wait3A_319 : memref<1024xi32, #tpu.memory_space<hbm>>) dst(%arg5 : memref<1024xi32, #tpu.memory_space<vmem>>)
      tpu.yield
    }) : () -> ()
    %dma_start3A = arith.constant 0 : i32
    %dma_start3A_3 = arith.constant 0 : i32
    %dma_start3A_4 = arith.constant 0 : i32
    %dma_start3A_5 = arith.constant 0 : i32
    %dma_start3A_6 = tpu.memref_slice %arg6[%dma_start3A, %dma_start3A_4, %dma_start3A_5] : memref<3x32x1152xf32, #tpu.memory_space<vmem>> -> memref<1x32x1152xf32, #tpu.memory_space<vmem>>
    %dma_start3A_7 = tpu.memref_squeeze %dma_start3A_6 : memref<1x32x1152xf32, #tpu.memory_space<vmem>> -> memref<32x1152xf32, #tpu.memory_space<vmem>>
    %dma_start3A_8 = arith.constant 0 : i32
    %dma_start3A_9 = tpu.memref_slice %arg5[%dma_start3A_8] : memref<1024xi32, #tpu.memory_space<vmem>> -> memref<32xi32, #tpu.memory_space<vmem>>
    %dma_start3A_10 = arith.constant 0 : i32
    %dma_start3A_11 = arith.constant 0 : i32
    %dma_start3A_12 = tpu.memref_slice %arg3[%dma_start3A_10, %dma_start3A_11] : memref<262144x1152xf32, #tpu.memory_space<hbm>> -> memref<262144x1152xf32, #tpu.memory_space<hbm>>
    %dma_start3A_13 = tpu.memref_slice %arg7[%dma_start3A_3] : memref<3x!tpu.dma_semaphore, #tpu.memory_space<semaphore_mem>> -> memref<1x!tpu.dma_semaphore, #tpu.memory_space<semaphore_mem>>
    %dma_start3A_14 = tpu.memref_squeeze %dma_start3A_13 : memref<1x!tpu.dma_semaphore, #tpu.memory_space<semaphore_mem>> -> memref<!tpu.dma_semaphore, #tpu.memory_space<semaphore_mem>>
    tpu.enqueue_indirect_dma source(%dma_start3A_12 : memref<262144x1152xf32, #tpu.memory_space<hbm>>) target(%dma_start3A_7 : memref<32x1152xf32, #tpu.memory_space<vmem>>) offsets(%dma_start3A_9 : memref<32xi32, #tpu.memory_space<vmem>>) semaphore(%dma_start3A_14 : memref<!tpu.dma_semaphore, #tpu.memory_space<semaphore_mem>>)
    %dma_start3A_15 = arith.constant 1 : i32
    %dma_start3A_16 = arith.constant 1 : i32
    %dma_start3A_17 = arith.constant 0 : i32
    %dma_start3A_18 = arith.constant 0 : i32
    %dma_start3A_19 = tpu.memref_slice %arg6[%dma_start3A_15, %dma_start3A_17, %dma_start3A_18] : memref<3x32x1152xf32, #tpu.memory_space<vmem>> -> memref<1x32x1152xf32, #tpu.memory_space<vmem>>
    %dma_start3A_20 = tpu.memref_squeeze %dma_start3A_19 : memref<1x32x1152xf32, #tpu.memory_space<vmem>> -> memref<32x1152xf32, #tpu.memory_space<vmem>>
    %dma_start3A_21 = arith.constant 32 : i32
    %dma_start3A_22 = tpu.memref_slice %arg5[%dma_start3A_21] : memref<1024xi32, #tpu.memory_space<vmem>> -> memref<32xi32, #tpu.memory_space<vmem>>
    %dma_start3A_23 = arith.constant 0 : i32
    %dma_start3A_24 = arith.constant 0 : i32
    %dma_start3A_25 = tpu.memref_slice %arg3[%dma_start3A_23, %dma_start3A_24] : memref<262144x1152xf32, #tpu.memory_space<hbm>> -> memref<262144x1152xf32, #tpu.memory_space<hbm>>
    %dma_start3A_26 = tpu.memref_slice %arg7[%dma_start3A_16] : memref<3x!tpu.dma_semaphore, #tpu.memory_space<semaphore_mem>> -> memref<1x!tpu.dma_semaphore, #tpu.memory_space<semaphore_mem>>
    %dma_start3A_27 = tpu.memref_squeeze %dma_start3A_26 : memref<1x!tpu.dma_semaphore, #tpu.memory_space<semaphore_mem>> -> memref<!tpu.dma_semaphore, #tpu.memory_space<semaphore_mem>>
    tpu.enqueue_indirect_dma source(%dma_start3A_25 : memref<262144x1152xf32, #tpu.memory_space<hbm>>) target(%dma_start3A_20 : memref<32x1152xf32, #tpu.memory_space<vmem>>) offsets(%dma_start3A_22 : memref<32xi32, #tpu.memory_space<vmem>>) semaphore(%dma_start3A_27 : memref<!tpu.dma_semaphore, #tpu.memory_space<semaphore_mem>>)
    %dma_start3A_28 = arith.constant 2 : i32
    %dma_start3A_29 = arith.constant 2 : i32
    %dma_start3A_30 = arith.constant 0 : i32
    %dma_start3A_31 = arith.constant 0 : i32
    %dma_start3A_32 = tpu.memref_slice %arg6[%dma_start3A_28, %dma_start3A_30, %dma_start3A_31] : memref<3x32x1152xf32, #tpu.memory_space<vmem>> -> memref<1x32x1152xf32, #tpu.memory_space<vmem>>
    %dma_start3A_33 = tpu.memref_squeeze %dma_start3A_32 : memref<1x32x1152xf32, #tpu.memory_space<vmem>> -> memref<32x1152xf32, #tpu.memory_space<vmem>>
    %dma_start3A_34 = arith.constant 64 : i32
    %dma_start3A_35 = tpu.memref_slice %arg5[%dma_start3A_34] : memref<1024xi32, #tpu.memory_space<vmem>> -> memref<32xi32, #tpu.memory_space<vmem>>
    %dma_start3A_36 = arith.constant 0 : i32
    %dma_start3A_37 = arith.constant 0 : i32
    %dma_start3A_38 = tpu.memref_slice %arg3[%dma_start3A_36, %dma_start3A_37] : memref<262144x1152xf32, #tpu.memory_space<hbm>> -> memref<262144x1152xf32, #tpu.memory_space<hbm>>
    %dma_start3A_39 = tpu.memref_slice %arg7[%dma_start3A_29] : memref<3x!tpu.dma_semaphore, #tpu.memory_space<semaphore_mem>> -> memref<1x!tpu.dma_semaphore, #tpu.memory_space<semaphore_mem>>
    %dma_start3A_40 = tpu.memref_squeeze %dma_start3A_39 : memref<1x!tpu.dma_semaphore, #tpu.memory_space<semaphore_mem>> -> memref<!tpu.dma_semaphore, #tpu.memory_space<semaphore_mem>>
    tpu.enqueue_indirect_dma source(%dma_start3A_38 : memref<262144x1152xf32, #tpu.memory_space<hbm>>) target(%dma_start3A_33 : memref<32x1152xf32, #tpu.memory_space<vmem>>) offsets(%dma_start3A_35 : memref<32xi32, #tpu.memory_space<vmem>>) semaphore(%dma_start3A_40 : memref<!tpu.dma_semaphore, #tpu.memory_space<semaphore_mem>>)
    %scan3A = arith.constant 0 : i32
    %scan3A_41 = arith.constant 0 : i32
    %scan3A_42 = arith.constant 9 : i32
    %scan3A_43 = arith.addi %scan3A_41, %scan3A_42 : i32
    %scan3A_44 = arith.constant 1 : i32
    scf.for %scan3A_316 = %scan3A_41 to %scan3A_43 step %scan3A_44  : i32 {
      %mul3A_317 = arith.constant 3 : i32
      %mul3A_318 = arith.muli %mul3A_317, %scan3A_316 : i32
      %add3A_319 = arith.constant 0 : i32
      %add3A_320 = arith.addi %mul3A_318, %add3A_319 : i32
      %mul3A_321 = arith.constant 32 : i32
      %mul3A_322 = arith.muli %add3A_320, %mul3A_321 : i32
      %dma_wait3A_323 = arith.constant 0 : i32
      %dma_wait3A_324 = arith.constant 0 : i32
      %dma_wait3A_325 = arith.constant 0 : i32
      %dma_wait3A_326 = arith.constant 0 : i32
      %dma_wait3A_327 = tpu.memref_slice %arg6[%dma_wait3A_323, %dma_wait3A_325, %dma_wait3A_326] : memref<3x32x1152xf32, #tpu.memory_space<vmem>> -> memref<1x32x1152xf32, #tpu.memory_space<vmem>>
      %dma_wait3A_328 = tpu.memref_squeeze %dma_wait3A_327 : memref<1x32x1152xf32, #tpu.memory_space<vmem>> -> memref<32x1152xf32, #tpu.memory_space<vmem>>
      %dma_wait3A_329 = tpu.memref_slice %arg5[%mul3A_322] : memref<1024xi32, #tpu.memory_space<vmem>> -> memref<32xi32, #tpu.memory_space<vmem>>
      %dma_wait3A_330 = arith.constant 0 : i32
      %dma_wait3A_331 = arith.constant 0 : i32
      %dma_wait3A_332 = tpu.memref_slice %arg3[%dma_wait3A_330, %dma_wait3A_331] : memref<262144x1152xf32, #tpu.memory_space<hbm>> -> memref<262144x1152xf32, #tpu.memory_space<hbm>>
      %dma_wait3A_333 = tpu.memref_slice %arg7[%dma_wait3A_324] : memref<3x!tpu.dma_semaphore, #tpu.memory_space<semaphore_mem>> -> memref<1x!tpu.dma_semaphore, #tpu.memory_space<semaphore_mem>>
      %dma_wait3A_334 = tpu.memref_squeeze %dma_wait3A_333 : memref<1x!tpu.dma_semaphore, #tpu.memory_space<semaphore_mem>> -> memref<!tpu.dma_semaphore, #tpu.memory_space<semaphore_mem>>
      tpu.wait_indirect_dma semaphore(%dma_wait3A_334 : memref<!tpu.dma_semaphore, #tpu.memory_space<semaphore_mem>>) src(%dma_wait3A_332 : memref<262144x1152xf32, #tpu.memory_space<hbm>>) dst(%dma_wait3A_328 : memref<32x1152xf32, #tpu.memory_space<vmem>>)
      %add3A_335 = arith.constant 0 : i32
      %add3A_336 = arith.addi %mul3A_318, %add3A_335 : i32
      %mul3A_337 = arith.constant 32 : i32
      %mul3A_338 = arith.muli %add3A_336, %mul3A_337 : i32
      %add3A_339 = arith.addi %mul3A_2, %mul3A_338 : i32
      %dma_start3A_340 = arith.constant 0 : i32
      %dma_start3A_341 = arith.constant 0 : i32
      %dma_start3A_342 = arith.constant 0 : i32
      %dma_start3A_343 = arith.constant 0 : i32
      %dma_start3A_344 = tpu.memref_slice %arg6[%dma_start3A_340, %dma_start3A_342, %dma_start3A_343] : memref<3x32x1152xf32, #tpu.memory_space<vmem>> -> memref<1x32x1152xf32, #tpu.memory_space<vmem>>
      %dma_start3A_345 = tpu.memref_squeeze %dma_start3A_344 : memref<1x32x1152xf32, #tpu.memory_space<vmem>> -> memref<32x1152xf32, #tpu.memory_space<vmem>>
      %dma_start3A_346 = arith.constant 0 : i32
      %dma_start3A_347 = tpu.memref_slice %arg4[%add3A_339, %dma_start3A_346] : memref<32768x1152xf32, #tpu.memory_space<hbm>> -> memref<32x1152xf32, #tpu.memory_space<hbm>>
      %dma_start3A_348 = tpu.memref_slice %arg8[%dma_start3A_341] : memref<3x!tpu.dma_semaphore, #tpu.memory_space<semaphore_mem>> -> memref<1x!tpu.dma_semaphore, #tpu.memory_space<semaphore_mem>>
      %dma_start3A_349 = tpu.memref_squeeze %dma_start3A_348 : memref<1x!tpu.dma_semaphore, #tpu.memory_space<semaphore_mem>> -> memref<!tpu.dma_semaphore, #tpu.memory_space<semaphore_mem>>
      %dma_start3A_350 = arith.constant 0 : i32
      %dma_start3A_351 = tpu.memref_slice %arg4[%add3A_339, %dma_start3A_350] : memref<32768x1152xf32, #tpu.memory_space<hbm>> -> memref<32x1152xf32, #tpu.memory_space<hbm>>
      %dma_start3A_352 = arith.constant 0 : i32
      %dma_start3A_353 = arith.constant 0 : i32
      %dma_start3A_354 = tpu.memref_slice %arg6[%dma_start3A_340, %dma_start3A_352, %dma_start3A_353] : memref<3x32x1152xf32, #tpu.memory_space<vmem>> -> memref<1x32x1152xf32, #tpu.memory_space<vmem>>
      %dma_start3A_355 = tpu.memref_squeeze %dma_start3A_354 : memref<1x32x1152xf32, #tpu.memory_space<vmem>> -> memref<32x1152xf32, #tpu.memory_space<vmem>>
      tpu.enqueue_dma source(%dma_start3A_355 : memref<32x1152xf32, #tpu.memory_space<vmem>>) target(%dma_start3A_351 : memref<32x1152xf32, #tpu.memory_space<hbm>>) target_semaphore(%dma_start3A_349 : memref<!tpu.dma_semaphore, #tpu.memory_space<semaphore_mem>>)
      %add3A_356 = arith.constant 1 : i32
      %add3A_357 = arith.addi %mul3A_318, %add3A_356 : i32
      %mul3A_358 = arith.constant 32 : i32
      %mul3A_359 = arith.muli %add3A_357, %mul3A_358 : i32
      %dma_wait3A_360 = arith.constant 1 : i32
      %dma_wait3A_361 = arith.constant 1 : i32
      %dma_wait3A_362 = arith.constant 0 : i32
      %dma_wait3A_363 = arith.constant 0 : i32
      %dma_wait3A_364 = tpu.memref_slice %arg6[%dma_wait3A_360, %dma_wait3A_362, %dma_wait3A_363] : memref<3x32x1152xf32, #tpu.memory_space<vmem>> -> memref<1x32x1152xf32, #tpu.memory_space<vmem>>
      %dma_wait3A_365 = tpu.memref_squeeze %dma_wait3A_364 : memref<1x32x1152xf32, #tpu.memory_space<vmem>> -> memref<32x1152xf32, #tpu.memory_space<vmem>>
      %dma_wait3A_366 = tpu.memref_slice %arg5[%mul3A_359] : memref<1024xi32, #tpu.memory_space<vmem>> -> memref<32xi32, #tpu.memory_space<vmem>>
      %dma_wait3A_367 = arith.constant 0 : i32
      %dma_wait3A_368 = arith.constant 0 : i32
      %dma_wait3A_369 = tpu.memref_slice %arg3[%dma_wait3A_367, %dma_wait3A_368] : memref<262144x1152xf32, #tpu.memory_space<hbm>> -> memref<262144x1152xf32, #tpu.memory_space<hbm>>
      %dma_wait3A_370 = tpu.memref_slice %arg7[%dma_wait3A_361] : memref<3x!tpu.dma_semaphore, #tpu.memory_space<semaphore_mem>> -> memref<1x!tpu.dma_semaphore, #tpu.memory_space<semaphore_mem>>
      %dma_wait3A_371 = tpu.memref_squeeze %dma_wait3A_370 : memref<1x!tpu.dma_semaphore, #tpu.memory_space<semaphore_mem>> -> memref<!tpu.dma_semaphore, #tpu.memory_space<semaphore_mem>>
      tpu.wait_indirect_dma semaphore(%dma_wait3A_371 : memref<!tpu.dma_semaphore, #tpu.memory_space<semaphore_mem>>) src(%dma_wait3A_369 : memref<262144x1152xf32, #tpu.memory_space<hbm>>) dst(%dma_wait3A_365 : memref<32x1152xf32, #tpu.memory_space<vmem>>)
      %add3A_372 = arith.constant 1 : i32
      %add3A_373 = arith.addi %mul3A_318, %add3A_372 : i32
      %mul3A_374 = arith.constant 32 : i32
      %mul3A_375 = arith.muli %add3A_373, %mul3A_374 : i32
      %add3A_376 = arith.addi %mul3A_2, %mul3A_375 : i32
      %dma_start3A_377 = arith.constant 1 : i32
      %dma_start3A_378 = arith.constant 1 : i32
      %dma_start3A_379 = arith.constant 0 : i32
      %dma_start3A_380 = arith.constant 0 : i32
      %dma_start3A_381 = tpu.memref_slice %arg6[%dma_start3A_377, %dma_start3A_379, %dma_start3A_380] : memref<3x32x1152xf32, #tpu.memory_space<vmem>> -> memref<1x32x1152xf32, #tpu.memory_space<vmem>>
      %dma_start3A_382 = tpu.memref_squeeze %dma_start3A_381 : memref<1x32x1152xf32, #tpu.memory_space<vmem>> -> memref<32x1152xf32, #tpu.memory_space<vmem>>
      %dma_start3A_383 = arith.constant 0 : i32
      %dma_start3A_384 = tpu.memref_slice %arg4[%add3A_376, %dma_start3A_383] : memref<32768x1152xf32, #tpu.memory_space<hbm>> -> memref<32x1152xf32, #tpu.memory_space<hbm>>
      %dma_start3A_385 = tpu.memref_slice %arg8[%dma_start3A_378] : memref<3x!tpu.dma_semaphore, #tpu.memory_space<semaphore_mem>> -> memref<1x!tpu.dma_semaphore, #tpu.memory_space<semaphore_mem>>
      %dma_start3A_386 = tpu.memref_squeeze %dma_start3A_385 : memref<1x!tpu.dma_semaphore, #tpu.memory_space<semaphore_mem>> -> memref<!tpu.dma_semaphore, #tpu.memory_space<semaphore_mem>>
      %dma_start3A_387 = arith.constant 0 : i32
      %dma_start3A_388 = tpu.memref_slice %arg4[%add3A_376, %dma_start3A_387] : memref<32768x1152xf32, #tpu.memory_space<hbm>> -> memref<32x1152xf32, #tpu.memory_space<hbm>>
      %dma_start3A_389 = arith.constant 0 : i32
      %dma_start3A_390 = arith.constant 0 : i32
      %dma_start3A_391 = tpu.memref_slice %arg6[%dma_start3A_377, %dma_start3A_389, %dma_start3A_390] : memref<3x32x1152xf32, #tpu.memory_space<vmem>> -> memref<1x32x1152xf32, #tpu.memory_space<vmem>>
      %dma_start3A_392 = tpu.memref_squeeze %dma_start3A_391 : memref<1x32x1152xf32, #tpu.memory_space<vmem>> -> memref<32x1152xf32, #tpu.memory_space<vmem>>
      tpu.enqueue_dma source(%dma_start3A_392 : memref<32x1152xf32, #tpu.memory_space<vmem>>) target(%dma_start3A_388 : memref<32x1152xf32, #tpu.memory_space<hbm>>) target_semaphore(%dma_start3A_386 : memref<!tpu.dma_semaphore, #tpu.memory_space<semaphore_mem>>)
      %add3A_393 = arith.constant 2 : i32
      %add3A_394 = arith.addi %mul3A_318, %add3A_393 : i32
      %mul3A_395 = arith.constant 32 : i32
      %mul3A_396 = arith.muli %add3A_394, %mul3A_395 : i32
      %dma_wait3A_397 = arith.constant 2 : i32
      %dma_wait3A_398 = arith.constant 2 : i32
      %dma_wait3A_399 = arith.constant 0 : i32
      %dma_wait3A_400 = arith.constant 0 : i32
      %dma_wait3A_401 = tpu.memref_slice %arg6[%dma_wait3A_397, %dma_wait3A_399, %dma_wait3A_400] : memref<3x32x1152xf32, #tpu.memory_space<vmem>> -> memref<1x32x1152xf32, #tpu.memory_space<vmem>>
      %dma_wait3A_402 = tpu.memref_squeeze %dma_wait3A_401 : memref<1x32x1152xf32, #tpu.memory_space<vmem>> -> memref<32x1152xf32, #tpu.memory_space<vmem>>
      %dma_wait3A_403 = tpu.memref_slice %arg5[%mul3A_396] : memref<1024xi32, #tpu.memory_space<vmem>> -> memref<32xi32, #tpu.memory_space<vmem>>
      %dma_wait3A_404 = arith.constant 0 : i32
      %dma_wait3A_405 = arith.constant 0 : i32
      %dma_wait3A_406 = tpu.memref_slice %arg3[%dma_wait3A_404, %dma_wait3A_405] : memref<262144x1152xf32, #tpu.memory_space<hbm>> -> memref<262144x1152xf32, #tpu.memory_space<hbm>>
      %dma_wait3A_407 = tpu.memref_slice %arg7[%dma_wait3A_398] : memref<3x!tpu.dma_semaphore, #tpu.memory_space<semaphore_mem>> -> memref<1x!tpu.dma_semaphore, #tpu.memory_space<semaphore_mem>>
      %dma_wait3A_408 = tpu.memref_squeeze %dma_wait3A_407 : memref<1x!tpu.dma_semaphore, #tpu.memory_space<semaphore_mem>> -> memref<!tpu.dma_semaphore, #tpu.memory_space<semaphore_mem>>
      tpu.wait_indirect_dma semaphore(%dma_wait3A_408 : memref<!tpu.dma_semaphore, #tpu.memory_space<semaphore_mem>>) src(%dma_wait3A_406 : memref<262144x1152xf32, #tpu.memory_space<hbm>>) dst(%dma_wait3A_402 : memref<32x1152xf32, #tpu.memory_space<vmem>>)
      %add3A_409 = arith.constant 2 : i32
      %add3A_410 = arith.addi %mul3A_318, %add3A_409 : i32
      %mul3A_411 = arith.constant 32 : i32
      %mul3A_412 = arith.muli %add3A_410, %mul3A_411 : i32
      %add3A_413 = arith.addi %mul3A_2, %mul3A_412 : i32
      %dma_start3A_414 = arith.constant 2 : i32
      %dma_start3A_415 = arith.constant 2 : i32
      %dma_start3A_416 = arith.constant 0 : i32
      %dma_start3A_417 = arith.constant 0 : i32
      %dma_start3A_418 = tpu.memref_slice %arg6[%dma_start3A_414, %dma_start3A_416, %dma_start3A_417] : memref<3x32x1152xf32, #tpu.memory_space<vmem>> -> memref<1x32x1152xf32, #tpu.memory_space<vmem>>
      %dma_start3A_419 = tpu.memref_squeeze %dma_start3A_418 : memref<1x32x1152xf32, #tpu.memory_space<vmem>> -> memref<32x1152xf32, #tpu.memory_space<vmem>>
      %dma_start3A_420 = arith.constant 0 : i32
      %dma_start3A_421 = tpu.memref_slice %arg4[%add3A_413, %dma_start3A_420] : memref<32768x1152xf32, #tpu.memory_space<hbm>> -> memref<32x1152xf32, #tpu.memory_space<hbm>>
      %dma_start3A_422 = tpu.memref_slice %arg8[%dma_start3A_415] : memref<3x!tpu.dma_semaphore, #tpu.memory_space<semaphore_mem>> -> memref<1x!tpu.dma_semaphore, #tpu.memory_space<semaphore_mem>>
      %dma_start3A_423 = tpu.memref_squeeze %dma_start3A_422 : memref<1x!tpu.dma_semaphore, #tpu.memory_space<semaphore_mem>> -> memref<!tpu.dma_semaphore, #tpu.memory_space<semaphore_mem>>
      %dma_start3A_424 = arith.constant 0 : i32
      %dma_start3A_425 = tpu.memref_slice %arg4[%add3A_413, %dma_start3A_424] : memref<32768x1152xf32, #tpu.memory_space<hbm>> -> memref<32x1152xf32, #tpu.memory_space<hbm>>
      %dma_start3A_426 = arith.constant 0 : i32
      %dma_start3A_427 = arith.constant 0 : i32
      %dma_start3A_428 = tpu.memref_slice %arg6[%dma_start3A_414, %dma_start3A_426, %dma_start3A_427] : memref<3x32x1152xf32, #tpu.memory_space<vmem>> -> memref<1x32x1152xf32, #tpu.memory_space<vmem>>
      %dma_start3A_429 = tpu.memref_squeeze %dma_start3A_428 : memref<1x32x1152xf32, #tpu.memory_space<vmem>> -> memref<32x1152xf32, #tpu.memory_space<vmem>>
      tpu.enqueue_dma source(%dma_start3A_429 : memref<32x1152xf32, #tpu.memory_space<vmem>>) target(%dma_start3A_425 : memref<32x1152xf32, #tpu.memory_space<hbm>>) target_semaphore(%dma_start3A_423 : memref<!tpu.dma_semaphore, #tpu.memory_space<semaphore_mem>>)
      %add3A_430 = arith.constant 0 : i32
      %add3A_431 = arith.addi %mul3A_318, %add3A_430 : i32
      %mul3A_432 = arith.constant 32 : i32
      %mul3A_433 = arith.muli %add3A_431, %mul3A_432 : i32
      %add3A_434 = arith.addi %mul3A_2, %mul3A_433 : i32
      %dma_wait3A_435 = arith.constant 0 : i32
      %dma_wait3A_436 = arith.constant 0 : i32
      %dma_wait3A_437 = arith.constant 0 : i32
      %dma_wait3A_438 = arith.constant 0 : i32
      %dma_wait3A_439 = tpu.memref_slice %arg6[%dma_wait3A_435, %dma_wait3A_437, %dma_wait3A_438] : memref<3x32x1152xf32, #tpu.memory_space<vmem>> -> memref<1x32x1152xf32, #tpu.memory_space<vmem>>
      %dma_wait3A_440 = tpu.memref_squeeze %dma_wait3A_439 : memref<1x32x1152xf32, #tpu.memory_space<vmem>> -> memref<32x1152xf32, #tpu.memory_space<vmem>>
      %dma_wait3A_441 = arith.constant 0 : i32
      %dma_wait3A_442 = tpu.memref_slice %arg4[%add3A_434, %dma_wait3A_441] : memref<32768x1152xf32, #tpu.memory_space<hbm>> -> memref<32x1152xf32, #tpu.memory_space<hbm>>
      %dma_wait3A_443 = tpu.memref_slice %arg8[%dma_wait3A_436] : memref<3x!tpu.dma_semaphore, #tpu.memory_space<semaphore_mem>> -> memref<1x!tpu.dma_semaphore, #tpu.memory_space<semaphore_mem>>
      %dma_wait3A_444 = tpu.memref_squeeze %dma_wait3A_443 : memref<1x!tpu.dma_semaphore, #tpu.memory_space<semaphore_mem>> -> memref<!tpu.dma_semaphore, #tpu.memory_space<semaphore_mem>>
      %dma_wait3A_445 = arith.constant 0 : i32
      %dma_wait3A_446 = tpu.memref_slice %arg4[%add3A_434, %dma_wait3A_445] : memref<32768x1152xf32, #tpu.memory_space<hbm>> -> memref<32x1152xf32, #tpu.memory_space<hbm>>
      %dma_wait3A_447 = arith.constant 0 : i32
      %dma_wait3A_448 = arith.constant 0 : i32
      %dma_wait3A_449 = tpu.memref_slice %arg6[%dma_wait3A_435, %dma_wait3A_447, %dma_wait3A_448] : memref<3x32x1152xf32, #tpu.memory_space<vmem>> -> memref<1x32x1152xf32, #tpu.memory_space<vmem>>
      %dma_wait3A_450 = tpu.memref_squeeze %dma_wait3A_449 : memref<1x32x1152xf32, #tpu.memory_space<vmem>> -> memref<32x1152xf32, #tpu.memory_space<vmem>>
      tpu.wait_dma2 semaphore(%dma_wait3A_444 : memref<!tpu.dma_semaphore, #tpu.memory_space<semaphore_mem>>) src(%dma_wait3A_450 : memref<32x1152xf32, #tpu.memory_space<vmem>>) dst(%dma_wait3A_446 : memref<32x1152xf32, #tpu.memory_space<hbm>>)
      %add3A_451 = arith.constant 3 : i32
      %add3A_452 = arith.addi %mul3A_318, %add3A_451 : i32
      %add3A_453 = arith.constant 0 : i32
      %add3A_454 = arith.addi %add3A_452, %add3A_453 : i32
      %mul3A_455 = arith.constant 32 : i32
      %mul3A_456 = arith.muli %add3A_454, %mul3A_455 : i32
      %dma_start3A_457 = arith.constant 0 : i32
      %dma_start3A_458 = arith.constant 0 : i32
      %dma_start3A_459 = arith.constant 0 : i32
      %dma_start3A_460 = arith.constant 0 : i32
      %dma_start3A_461 = tpu.memref_slice %arg6[%dma_start3A_457, %dma_start3A_459, %dma_start3A_460] : memref<3x32x1152xf32, #tpu.memory_space<vmem>> -> memref<1x32x1152xf32, #tpu.memory_space<vmem>>
      %dma_start3A_462 = tpu.memref_squeeze %dma_start3A_461 : memref<1x32x1152xf32, #tpu.memory_space<vmem>> -> memref<32x1152xf32, #tpu.memory_space<vmem>>
      %dma_start3A_463 = tpu.memref_slice %arg5[%mul3A_456] : memref<1024xi32, #tpu.memory_space<vmem>> -> memref<32xi32, #tpu.memory_space<vmem>>
      %dma_start3A_464 = arith.constant 0 : i32
      %dma_start3A_465 = arith.constant 0 : i32
      %dma_start3A_466 = tpu.memref_slice %arg3[%dma_start3A_464, %dma_start3A_465] : memref<262144x1152xf32, #tpu.memory_space<hbm>> -> memref<262144x1152xf32, #tpu.memory_space<hbm>>
      %dma_start3A_467 = tpu.memref_slice %arg7[%dma_start3A_458] : memref<3x!tpu.dma_semaphore, #tpu.memory_space<semaphore_mem>> -> memref<1x!tpu.dma_semaphore, #tpu.memory_space<semaphore_mem>>
      %dma_start3A_468 = tpu.memref_squeeze %dma_start3A_467 : memref<1x!tpu.dma_semaphore, #tpu.memory_space<semaphore_mem>> -> memref<!tpu.dma_semaphore, #tpu.memory_space<semaphore_mem>>
      tpu.enqueue_indirect_dma source(%dma_start3A_466 : memref<262144x1152xf32, #tpu.memory_space<hbm>>) target(%dma_start3A_462 : memref<32x1152xf32, #tpu.memory_space<vmem>>) offsets(%dma_start3A_463 : memref<32xi32, #tpu.memory_space<vmem>>) semaphore(%dma_start3A_468 : memref<!tpu.dma_semaphore, #tpu.memory_space<semaphore_mem>>)
      %add3A_469 = arith.constant 1 : i32
      %add3A_470 = arith.addi %mul3A_318, %add3A_469 : i32
      %mul3A_471 = arith.constant 32 : i32
      %mul3A_472 = arith.muli %add3A_470, %mul3A_471 : i32
      %add3A_473 = arith.addi %mul3A_2, %mul3A_472 : i32
      %dma_wait3A_474 = arith.constant 1 : i32
      %dma_wait3A_475 = arith.constant 1 : i32
      %dma_wait3A_476 = arith.constant 0 : i32
      %dma_wait3A_477 = arith.constant 0 : i32
      %dma_wait3A_478 = tpu.memref_slice %arg6[%dma_wait3A_474, %dma_wait3A_476, %dma_wait3A_477] : memref<3x32x1152xf32, #tpu.memory_space<vmem>> -> memref<1x32x1152xf32, #tpu.memory_space<vmem>>
      %dma_wait3A_479 = tpu.memref_squeeze %dma_wait3A_478 : memref<1x32x1152xf32, #tpu.memory_space<vmem>> -> memref<32x1152xf32, #tpu.memory_space<vmem>>
      %dma_wait3A_480 = arith.constant 0 : i32
      %dma_wait3A_481 = tpu.memref_slice %arg4[%add3A_473, %dma_wait3A_480] : memref<32768x1152xf32, #tpu.memory_space<hbm>> -> memref<32x1152xf32, #tpu.memory_space<hbm>>
      %dma_wait3A_482 = tpu.memref_slice %arg8[%dma_wait3A_475] : memref<3x!tpu.dma_semaphore, #tpu.memory_space<semaphore_mem>> -> memref<1x!tpu.dma_semaphore, #tpu.memory_space<semaphore_mem>>
      %dma_wait3A_483 = tpu.memref_squeeze %dma_wait3A_482 : memref<1x!tpu.dma_semaphore, #tpu.memory_space<semaphore_mem>> -> memref<!tpu.dma_semaphore, #tpu.memory_space<semaphore_mem>>
      %dma_wait3A_484 = arith.constant 0 : i32
      %dma_wait3A_485 = tpu.memref_slice %arg4[%add3A_473, %dma_wait3A_484] : memref<32768x1152xf32, #tpu.memory_space<hbm>> -> memref<32x1152xf32, #tpu.memory_space<hbm>>
      %dma_wait3A_486 = arith.constant 0 : i32
      %dma_wait3A_487 = arith.constant 0 : i32
      %dma_wait3A_488 = tpu.memref_slice %arg6[%dma_wait3A_474, %dma_wait3A_486, %dma_wait3A_487] : memref<3x32x1152xf32, #tpu.memory_space<vmem>> -> memref<1x32x1152xf32, #tpu.memory_space<vmem>>
      %dma_wait3A_489 = tpu.memref_squeeze %dma_wait3A_488 : memref<1x32x1152xf32, #tpu.memory_space<vmem>> -> memref<32x1152xf32, #tpu.memory_space<vmem>>
      tpu.wait_dma2 semaphore(%dma_wait3A_483 : memref<!tpu.dma_semaphore, #tpu.memory_space<semaphore_mem>>) src(%dma_wait3A_489 : memref<32x1152xf32, #tpu.memory_space<vmem>>) dst(%dma_wait3A_485 : memref<32x1152xf32, #tpu.memory_space<hbm>>)
      %add3A_490 = arith.constant 3 : i32
      %add3A_491 = arith.addi %mul3A_318, %add3A_490 : i32
      %add3A_492 = arith.constant 1 : i32
      %add3A_493 = arith.addi %add3A_491, %add3A_492 : i32
      %mul3A_494 = arith.constant 32 : i32
      %mul3A_495 = arith.muli %add3A_493, %mul3A_494 : i32
      %dma_start3A_496 = arith.constant 1 : i32
      %dma_start3A_497 = arith.constant 1 : i32
      %dma_start3A_498 = arith.constant 0 : i32
      %dma_start3A_499 = arith.constant 0 : i32
      %dma_start3A_500 = tpu.memref_slice %arg6[%dma_start3A_496, %dma_start3A_498, %dma_start3A_499] : memref<3x32x1152xf32, #tpu.memory_space<vmem>> -> memref<1x32x1152xf32, #tpu.memory_space<vmem>>
      %dma_start3A_501 = tpu.memref_squeeze %dma_start3A_500 : memref<1x32x1152xf32, #tpu.memory_space<vmem>> -> memref<32x1152xf32, #tpu.memory_space<vmem>>
      %dma_start3A_502 = tpu.memref_slice %arg5[%mul3A_495] : memref<1024xi32, #tpu.memory_space<vmem>> -> memref<32xi32, #tpu.memory_space<vmem>>
      %dma_start3A_503 = arith.constant 0 : i32
      %dma_start3A_504 = arith.constant 0 : i32
      %dma_start3A_505 = tpu.memref_slice %arg3[%dma_start3A_503, %dma_start3A_504] : memref<262144x1152xf32, #tpu.memory_space<hbm>> -> memref<262144x1152xf32, #tpu.memory_space<hbm>>
      %dma_start3A_506 = tpu.memref_slice %arg7[%dma_start3A_497] : memref<3x!tpu.dma_semaphore, #tpu.memory_space<semaphore_mem>> -> memref<1x!tpu.dma_semaphore, #tpu.memory_space<semaphore_mem>>
      %dma_start3A_507 = tpu.memref_squeeze %dma_start3A_506 : memref<1x!tpu.dma_semaphore, #tpu.memory_space<semaphore_mem>> -> memref<!tpu.dma_semaphore, #tpu.memory_space<semaphore_mem>>
      tpu.enqueue_indirect_dma source(%dma_start3A_505 : memref<262144x1152xf32, #tpu.memory_space<hbm>>) target(%dma_start3A_501 : memref<32x1152xf32, #tpu.memory_space<vmem>>) offsets(%dma_start3A_502 : memref<32xi32, #tpu.memory_space<vmem>>) semaphore(%dma_start3A_507 : memref<!tpu.dma_semaphore, #tpu.memory_space<semaphore_mem>>)
      %add3A_508 = arith.constant 2 : i32
      %add3A_509 = arith.addi %mul3A_318, %add3A_508 : i32
      %mul3A_510 = arith.constant 32 : i32
      %mul3A_511 = arith.muli %add3A_509, %mul3A_510 : i32
      %add3A_512 = arith.addi %mul3A_2, %mul3A_511 : i32
      %dma_wait3A_513 = arith.constant 2 : i32
      %dma_wait3A_514 = arith.constant 2 : i32
      %dma_wait3A_515 = arith.constant 0 : i32
      %dma_wait3A_516 = arith.constant 0 : i32
      %dma_wait3A_517 = tpu.memref_slice %arg6[%dma_wait3A_513, %dma_wait3A_515, %dma_wait3A_516] : memref<3x32x1152xf32, #tpu.memory_space<vmem>> -> memref<1x32x1152xf32, #tpu.memory_space<vmem>>
      %dma_wait3A_518 = tpu.memref_squeeze %dma_wait3A_517 : memref<1x32x1152xf32, #tpu.memory_space<vmem>> -> memref<32x1152xf32, #tpu.memory_space<vmem>>
      %dma_wait3A_519 = arith.constant 0 : i32
      %dma_wait3A_520 = tpu.memref_slice %arg4[%add3A_512, %dma_wait3A_519] : memref<32768x1152xf32, #tpu.memory_space<hbm>> -> memref<32x1152xf32, #tpu.memory_space<hbm>>
      %dma_wait3A_521 = tpu.memref_slice %arg8[%dma_wait3A_514] : memref<3x!tpu.dma_semaphore, #tpu.memory_space<semaphore_mem>> -> memref<1x!tpu.dma_semaphore, #tpu.memory_space<semaphore_mem>>
      %dma_wait3A_522 = tpu.memref_squeeze %dma_wait3A_521 : memref<1x!tpu.dma_semaphore, #tpu.memory_space<semaphore_mem>> -> memref<!tpu.dma_semaphore, #tpu.memory_space<semaphore_mem>>
      %dma_wait3A_523 = arith.constant 0 : i32
      %dma_wait3A_524 = tpu.memref_slice %arg4[%add3A_512, %dma_wait3A_523] : memref<32768x1152xf32, #tpu.memory_space<hbm>> -> memref<32x1152xf32, #tpu.memory_space<hbm>>
      %dma_wait3A_525 = arith.constant 0 : i32
      %dma_wait3A_526 = arith.constant 0 : i32
      %dma_wait3A_527 = tpu.memref_slice %arg6[%dma_wait3A_513, %dma_wait3A_525, %dma_wait3A_526] : memref<3x32x1152xf32, #tpu.memory_space<vmem>> -> memref<1x32x1152xf32, #tpu.memory_space<vmem>>
      %dma_wait3A_528 = tpu.memref_squeeze %dma_wait3A_527 : memref<1x32x1152xf32, #tpu.memory_space<vmem>> -> memref<32x1152xf32, #tpu.memory_space<vmem>>
      tpu.wait_dma2 semaphore(%dma_wait3A_522 : memref<!tpu.dma_semaphore, #tpu.memory_space<semaphore_mem>>) src(%dma_wait3A_528 : memref<32x1152xf32, #tpu.memory_space<vmem>>) dst(%dma_wait3A_524 : memref<32x1152xf32, #tpu.memory_space<hbm>>)
      %add3A_529 = arith.constant 3 : i32
      %add3A_530 = arith.addi %mul3A_318, %add3A_529 : i32
      %add3A_531 = arith.constant 2 : i32
      %add3A_532 = arith.addi %add3A_530, %add3A_531 : i32
      %mul3A_533 = arith.constant 32 : i32
      %mul3A_534 = arith.muli %add3A_532, %mul3A_533 : i32
      %dma_start3A_535 = arith.constant 2 : i32
      %dma_start3A_536 = arith.constant 2 : i32
      %dma_start3A_537 = arith.constant 0 : i32
      %dma_start3A_538 = arith.constant 0 : i32
      %dma_start3A_539 = tpu.memref_slice %arg6[%dma_start3A_535, %dma_start3A_537, %dma_start3A_538] : memref<3x32x1152xf32, #tpu.memory_space<vmem>> -> memref<1x32x1152xf32, #tpu.memory_space<vmem>>
      %dma_start3A_540 = tpu.memref_squeeze %dma_start3A_539 : memref<1x32x1152xf32, #tpu.memory_space<vmem>> -> memref<32x1152xf32, #tpu.memory_space<vmem>>
      %dma_start3A_541 = tpu.memref_slice %arg5[%mul3A_534] : memref<1024xi32, #tpu.memory_space<vmem>> -> memref<32xi32, #tpu.memory_space<vmem>>
      %dma_start3A_542 = arith.constant 0 : i32
      %dma_start3A_543 = arith.constant 0 : i32
      %dma_start3A_544 = tpu.memref_slice %arg3[%dma_start3A_542, %dma_start3A_543] : memref<262144x1152xf32, #tpu.memory_space<hbm>> -> memref<262144x1152xf32, #tpu.memory_space<hbm>>
      %dma_start3A_545 = tpu.memref_slice %arg7[%dma_start3A_536] : memref<3x!tpu.dma_semaphore, #tpu.memory_space<semaphore_mem>> -> memref<1x!tpu.dma_semaphore, #tpu.memory_space<semaphore_mem>>
      %dma_start3A_546 = tpu.memref_squeeze %dma_start3A_545 : memref<1x!tpu.dma_semaphore, #tpu.memory_space<semaphore_mem>> -> memref<!tpu.dma_semaphore, #tpu.memory_space<semaphore_mem>>
      tpu.enqueue_indirect_dma source(%dma_start3A_544 : memref<262144x1152xf32, #tpu.memory_space<hbm>>) target(%dma_start3A_540 : memref<32x1152xf32, #tpu.memory_space<vmem>>) offsets(%dma_start3A_541 : memref<32xi32, #tpu.memory_space<vmem>>) semaphore(%dma_start3A_546 : memref<!tpu.dma_semaphore, #tpu.memory_space<semaphore_mem>>)
    }
    %scan3A_45 = arith.constant 9 : i32
    %dma_wait3A = arith.constant 0 : i32
    %dma_wait3A_46 = arith.constant 0 : i32
    %dma_wait3A_47 = arith.constant 0 : i32
    %dma_wait3A_48 = arith.constant 0 : i32
    %dma_wait3A_49 = tpu.memref_slice %arg6[%dma_wait3A, %dma_wait3A_47, %dma_wait3A_48] : memref<3x32x1152xf32, #tpu.memory_space<vmem>> -> memref<1x32x1152xf32, #tpu.memory_space<vmem>>
    %dma_wait3A_50 = tpu.memref_squeeze %dma_wait3A_49 : memref<1x32x1152xf32, #tpu.memory_space<vmem>> -> memref<32x1152xf32, #tpu.memory_space<vmem>>
    %dma_wait3A_51 = arith.constant 864 : i32
    %dma_wait3A_52 = tpu.memref_slice %arg5[%dma_wait3A_51] : memref<1024xi32, #tpu.memory_space<vmem>> -> memref<32xi32, #tpu.memory_space<vmem>>
    %dma_wait3A_53 = arith.constant 0 : i32
    %dma_wait3A_54 = arith.constant 0 : i32
    %dma_wait3A_55 = tpu.memref_slice %arg3[%dma_wait3A_53, %dma_wait3A_54] : memref<262144x1152xf32, #tpu.memory_space<hbm>> -> memref<262144x1152xf32, #tpu.memory_space<hbm>>
    %dma_wait3A_56 = tpu.memref_slice %arg7[%dma_wait3A_46] : memref<3x!tpu.dma_semaphore, #tpu.memory_space<semaphore_mem>> -> memref<1x!tpu.dma_semaphore, #tpu.memory_space<semaphore_mem>>
    %dma_wait3A_57 = tpu.memref_squeeze %dma_wait3A_56 : memref<1x!tpu.dma_semaphore, #tpu.memory_space<semaphore_mem>> -> memref<!tpu.dma_semaphore, #tpu.memory_space<semaphore_mem>>
    tpu.wait_indirect_dma semaphore(%dma_wait3A_57 : memref<!tpu.dma_semaphore, #tpu.memory_space<semaphore_mem>>) src(%dma_wait3A_55 : memref<262144x1152xf32, #tpu.memory_space<hbm>>) dst(%dma_wait3A_50 : memref<32x1152xf32, #tpu.memory_space<vmem>>)
    %add3A_58 = arith.constant 864 : i32
    %add3A_59 = arith.addi %mul3A_2, %add3A_58 : i32
    %dma_start3A_60 = arith.constant 0 : i32
    %dma_start3A_61 = arith.constant 0 : i32
    %dma_start3A_62 = arith.constant 0 : i32
    %dma_start3A_63 = arith.constant 0 : i32
    %dma_start3A_64 = tpu.memref_slice %arg6[%dma_start3A_60, %dma_start3A_62, %dma_start3A_63] : memref<3x32x1152xf32, #tpu.memory_space<vmem>> -> memref<1x32x1152xf32, #tpu.memory_space<vmem>>
    %dma_start3A_65 = tpu.memref_squeeze %dma_start3A_64 : memref<1x32x1152xf32, #tpu.memory_space<vmem>> -> memref<32x1152xf32, #tpu.memory_space<vmem>>
    %dma_start3A_66 = arith.constant 0 : i32
    %dma_start3A_67 = tpu.memref_slice %arg4[%add3A_59, %dma_start3A_66] : memref<32768x1152xf32, #tpu.memory_space<hbm>> -> memref<32x1152xf32, #tpu.memory_space<hbm>>
    %dma_start3A_68 = tpu.memref_slice %arg8[%dma_start3A_61] : memref<3x!tpu.dma_semaphore, #tpu.memory_space<semaphore_mem>> -> memref<1x!tpu.dma_semaphore, #tpu.memory_space<semaphore_mem>>
    %dma_start3A_69 = tpu.memref_squeeze %dma_start3A_68 : memref<1x!tpu.dma_semaphore, #tpu.memory_space<semaphore_mem>> -> memref<!tpu.dma_semaphore, #tpu.memory_space<semaphore_mem>>
    %dma_start3A_70 = arith.constant 0 : i32
    %dma_start3A_71 = tpu.memref_slice %arg4[%add3A_59, %dma_start3A_70] : memref<32768x1152xf32, #tpu.memory_space<hbm>> -> memref<32x1152xf32, #tpu.memory_space<hbm>>
    %dma_start3A_72 = arith.constant 0 : i32
    %dma_start3A_73 = arith.constant 0 : i32
    %dma_start3A_74 = tpu.memref_slice %arg6[%dma_start3A_60, %dma_start3A_72, %dma_start3A_73] : memref<3x32x1152xf32, #tpu.memory_space<vmem>> -> memref<1x32x1152xf32, #tpu.memory_space<vmem>>
    %dma_start3A_75 = tpu.memref_squeeze %dma_start3A_74 : memref<1x32x1152xf32, #tpu.memory_space<vmem>> -> memref<32x1152xf32, #tpu.memory_space<vmem>>
    tpu.enqueue_dma source(%dma_start3A_75 : memref<32x1152xf32, #tpu.memory_space<vmem>>) target(%dma_start3A_71 : memref<32x1152xf32, #tpu.memory_space<hbm>>) target_semaphore(%dma_start3A_69 : memref<!tpu.dma_semaphore, #tpu.memory_space<semaphore_mem>>)
    %dma_wait3A_76 = arith.constant 1 : i32
    %dma_wait3A_77 = arith.constant 1 : i32
    %dma_wait3A_78 = arith.constant 0 : i32
    %dma_wait3A_79 = arith.constant 0 : i32
    %dma_wait3A_80 = tpu.memref_slice %arg6[%dma_wait3A_76, %dma_wait3A_78, %dma_wait3A_79] : memref<3x32x1152xf32, #tpu.memory_space<vmem>> -> memref<1x32x1152xf32, #tpu.memory_space<vmem>>
    %dma_wait3A_81 = tpu.memref_squeeze %dma_wait3A_80 : memref<1x32x1152xf32, #tpu.memory_space<vmem>> -> memref<32x1152xf32, #tpu.memory_space<vmem>>
    %dma_wait3A_82 = arith.constant 896 : i32
    %dma_wait3A_83 = tpu.memref_slice %arg5[%dma_wait3A_82] : memref<1024xi32, #tpu.memory_space<vmem>> -> memref<32xi32, #tpu.memory_space<vmem>>
    %dma_wait3A_84 = arith.constant 0 : i32
    %dma_wait3A_85 = arith.constant 0 : i32
    %dma_wait3A_86 = tpu.memref_slice %arg3[%dma_wait3A_84, %dma_wait3A_85] : memref<262144x1152xf32, #tpu.memory_space<hbm>> -> memref<262144x1152xf32, #tpu.memory_space<hbm>>
    %dma_wait3A_87 = tpu.memref_slice %arg7[%dma_wait3A_77] : memref<3x!tpu.dma_semaphore, #tpu.memory_space<semaphore_mem>> -> memref<1x!tpu.dma_semaphore, #tpu.memory_space<semaphore_mem>>
    %dma_wait3A_88 = tpu.memref_squeeze %dma_wait3A_87 : memref<1x!tpu.dma_semaphore, #tpu.memory_space<semaphore_mem>> -> memref<!tpu.dma_semaphore, #tpu.memory_space<semaphore_mem>>
    tpu.wait_indirect_dma semaphore(%dma_wait3A_88 : memref<!tpu.dma_semaphore, #tpu.memory_space<semaphore_mem>>) src(%dma_wait3A_86 : memref<262144x1152xf32, #tpu.memory_space<hbm>>) dst(%dma_wait3A_81 : memref<32x1152xf32, #tpu.memory_space<vmem>>)
    %add3A_89 = arith.constant 896 : i32
    %add3A_90 = arith.addi %mul3A_2, %add3A_89 : i32
    %dma_start3A_91 = arith.constant 1 : i32
    %dma_start3A_92 = arith.constant 1 : i32
    %dma_start3A_93 = arith.constant 0 : i32
    %dma_start3A_94 = arith.constant 0 : i32
    %dma_start3A_95 = tpu.memref_slice %arg6[%dma_start3A_91, %dma_start3A_93, %dma_start3A_94] : memref<3x32x1152xf32, #tpu.memory_space<vmem>> -> memref<1x32x1152xf32, #tpu.memory_space<vmem>>
    %dma_start3A_96 = tpu.memref_squeeze %dma_start3A_95 : memref<1x32x1152xf32, #tpu.memory_space<vmem>> -> memref<32x1152xf32, #tpu.memory_space<vmem>>
    %dma_start3A_97 = arith.constant 0 : i32
    %dma_start3A_98 = tpu.memref_slice %arg4[%add3A_90, %dma_start3A_97] : memref<32768x1152xf32, #tpu.memory_space<hbm>> -> memref<32x1152xf32, #tpu.memory_space<hbm>>
    %dma_start3A_99 = tpu.memref_slice %arg8[%dma_start3A_92] : memref<3x!tpu.dma_semaphore, #tpu.memory_space<semaphore_mem>> -> memref<1x!tpu.dma_semaphore, #tpu.memory_space<semaphore_mem>>
    %dma_start3A_100 = tpu.memref_squeeze %dma_start3A_99 : memref<1x!tpu.dma_semaphore, #tpu.memory_space<semaphore_mem>> -> memref<!tpu.dma_semaphore, #tpu.memory_space<semaphore_mem>>
    %dma_start3A_101 = arith.constant 0 : i32
    %dma_start3A_102 = tpu.memref_slice %arg4[%add3A_90, %dma_start3A_101] : memref<32768x1152xf32, #tpu.memory_space<hbm>> -> memref<32x1152xf32, #tpu.memory_space<hbm>>
    %dma_start3A_103 = arith.constant 0 : i32
    %dma_start3A_104 = arith.constant 0 : i32
    %dma_start3A_105 = tpu.memref_slice %arg6[%dma_start3A_91, %dma_start3A_103, %dma_start3A_104] : memref<3x32x1152xf32, #tpu.memory_space<vmem>> -> memref<1x32x1152xf32, #tpu.memory_space<vmem>>
    %dma_start3A_106 = tpu.memref_squeeze %dma_start3A_105 : memref<1x32x1152xf32, #tpu.memory_space<vmem>> -> memref<32x1152xf32, #tpu.memory_space<vmem>>
    tpu.enqueue_dma source(%dma_start3A_106 : memref<32x1152xf32, #tpu.memory_space<vmem>>) target(%dma_start3A_102 : memref<32x1152xf32, #tpu.memory_space<hbm>>) target_semaphore(%dma_start3A_100 : memref<!tpu.dma_semaphore, #tpu.memory_space<semaphore_mem>>)
    %dma_wait3A_107 = arith.constant 2 : i32
    %dma_wait3A_108 = arith.constant 2 : i32
    %dma_wait3A_109 = arith.constant 0 : i32
    %dma_wait3A_110 = arith.constant 0 : i32
    %dma_wait3A_111 = tpu.memref_slice %arg6[%dma_wait3A_107, %dma_wait3A_109, %dma_wait3A_110] : memref<3x32x1152xf32, #tpu.memory_space<vmem>> -> memref<1x32x1152xf32, #tpu.memory_space<vmem>>
    %dma_wait3A_112 = tpu.memref_squeeze %dma_wait3A_111 : memref<1x32x1152xf32, #tpu.memory_space<vmem>> -> memref<32x1152xf32, #tpu.memory_space<vmem>>
    %dma_wait3A_113 = arith.constant 928 : i32
    %dma_wait3A_114 = tpu.memref_slice %arg5[%dma_wait3A_113] : memref<1024xi32, #tpu.memory_space<vmem>> -> memref<32xi32, #tpu.memory_space<vmem>>
    %dma_wait3A_115 = arith.constant 0 : i32
    %dma_wait3A_116 = arith.constant 0 : i32
    %dma_wait3A_117 = tpu.memref_slice %arg3[%dma_wait3A_115, %dma_wait3A_116] : memref<262144x1152xf32, #tpu.memory_space<hbm>> -> memref<262144x1152xf32, #tpu.memory_space<hbm>>
    %dma_wait3A_118 = tpu.memref_slice %arg7[%dma_wait3A_108] : memref<3x!tpu.dma_semaphore, #tpu.memory_space<semaphore_mem>> -> memref<1x!tpu.dma_semaphore, #tpu.memory_space<semaphore_mem>>
    %dma_wait3A_119 = tpu.memref_squeeze %dma_wait3A_118 : memref<1x!tpu.dma_semaphore, #tpu.memory_space<semaphore_mem>> -> memref<!tpu.dma_semaphore, #tpu.memory_space<semaphore_mem>>
    tpu.wait_indirect_dma semaphore(%dma_wait3A_119 : memref<!tpu.dma_semaphore, #tpu.memory_space<semaphore_mem>>) src(%dma_wait3A_117 : memref<262144x1152xf32, #tpu.memory_space<hbm>>) dst(%dma_wait3A_112 : memref<32x1152xf32, #tpu.memory_space<vmem>>)
    %add3A_120 = arith.constant 928 : i32
    %add3A_121 = arith.addi %mul3A_2, %add3A_120 : i32
    %dma_start3A_122 = arith.constant 2 : i32
    %dma_start3A_123 = arith.constant 2 : i32
    %dma_start3A_124 = arith.constant 0 : i32
    %dma_start3A_125 = arith.constant 0 : i32
    %dma_start3A_126 = tpu.memref_slice %arg6[%dma_start3A_122, %dma_start3A_124, %dma_start3A_125] : memref<3x32x1152xf32, #tpu.memory_space<vmem>> -> memref<1x32x1152xf32, #tpu.memory_space<vmem>>
    %dma_start3A_127 = tpu.memref_squeeze %dma_start3A_126 : memref<1x32x1152xf32, #tpu.memory_space<vmem>> -> memref<32x1152xf32, #tpu.memory_space<vmem>>
    %dma_start3A_128 = arith.constant 0 : i32
    %dma_start3A_129 = tpu.memref_slice %arg4[%add3A_121, %dma_start3A_128] : memref<32768x1152xf32, #tpu.memory_space<hbm>> -> memref<32x1152xf32, #tpu.memory_space<hbm>>
    %dma_start3A_130 = tpu.memref_slice %arg8[%dma_start3A_123] : memref<3x!tpu.dma_semaphore, #tpu.memory_space<semaphore_mem>> -> memref<1x!tpu.dma_semaphore, #tpu.memory_space<semaphore_mem>>
    %dma_start3A_131 = tpu.memref_squeeze %dma_start3A_130 : memref<1x!tpu.dma_semaphore, #tpu.memory_space<semaphore_mem>> -> memref<!tpu.dma_semaphore, #tpu.memory_space<semaphore_mem>>
    %dma_start3A_132 = arith.constant 0 : i32
    %dma_start3A_133 = tpu.memref_slice %arg4[%add3A_121, %dma_start3A_132] : memref<32768x1152xf32, #tpu.memory_space<hbm>> -> memref<32x1152xf32, #tpu.memory_space<hbm>>
    %dma_start3A_134 = arith.constant 0 : i32
    %dma_start3A_135 = arith.constant 0 : i32
    %dma_start3A_136 = tpu.memref_slice %arg6[%dma_start3A_122, %dma_start3A_134, %dma_start3A_135] : memref<3x32x1152xf32, #tpu.memory_space<vmem>> -> memref<1x32x1152xf32, #tpu.memory_space<vmem>>
    %dma_start3A_137 = tpu.memref_squeeze %dma_start3A_136 : memref<1x32x1152xf32, #tpu.memory_space<vmem>> -> memref<32x1152xf32, #tpu.memory_space<vmem>>
    tpu.enqueue_dma source(%dma_start3A_137 : memref<32x1152xf32, #tpu.memory_space<vmem>>) target(%dma_start3A_133 : memref<32x1152xf32, #tpu.memory_space<hbm>>) target_semaphore(%dma_start3A_131 : memref<!tpu.dma_semaphore, #tpu.memory_space<semaphore_mem>>)
    %add3A_138 = arith.constant 864 : i32
    %add3A_139 = arith.addi %mul3A_2, %add3A_138 : i32
    %dma_wait3A_140 = arith.constant 0 : i32
    %dma_wait3A_141 = arith.constant 0 : i32
    %dma_wait3A_142 = arith.constant 0 : i32
    %dma_wait3A_143 = arith.constant 0 : i32
    %dma_wait3A_144 = tpu.memref_slice %arg6[%dma_wait3A_140, %dma_wait3A_142, %dma_wait3A_143] : memref<3x32x1152xf32, #tpu.memory_space<vmem>> -> memref<1x32x1152xf32, #tpu.memory_space<vmem>>
    %dma_wait3A_145 = tpu.memref_squeeze %dma_wait3A_144 : memref<1x32x1152xf32, #tpu.memory_space<vmem>> -> memref<32x1152xf32, #tpu.memory_space<vmem>>
    %dma_wait3A_146 = arith.constant 0 : i32
    %dma_wait3A_147 = tpu.memref_slice %arg4[%add3A_139, %dma_wait3A_146] : memref<32768x1152xf32, #tpu.memory_space<hbm>> -> memref<32x1152xf32, #tpu.memory_space<hbm>>
    %dma_wait3A_148 = tpu.memref_slice %arg8[%dma_wait3A_141] : memref<3x!tpu.dma_semaphore, #tpu.memory_space<semaphore_mem>> -> memref<1x!tpu.dma_semaphore, #tpu.memory_space<semaphore_mem>>
    %dma_wait3A_149 = tpu.memref_squeeze %dma_wait3A_148 : memref<1x!tpu.dma_semaphore, #tpu.memory_space<semaphore_mem>> -> memref<!tpu.dma_semaphore, #tpu.memory_space<semaphore_mem>>
    %dma_wait3A_150 = arith.constant 0 : i32
    %dma_wait3A_151 = tpu.memref_slice %arg4[%add3A_139, %dma_wait3A_150] : memref<32768x1152xf32, #tpu.memory_space<hbm>> -> memref<32x1152xf32, #tpu.memory_space<hbm>>
    %dma_wait3A_152 = arith.constant 0 : i32
    %dma_wait3A_153 = arith.constant 0 : i32
    %dma_wait3A_154 = tpu.memref_slice %arg6[%dma_wait3A_140, %dma_wait3A_152, %dma_wait3A_153] : memref<3x32x1152xf32, #tpu.memory_space<vmem>> -> memref<1x32x1152xf32, #tpu.memory_space<vmem>>
    %dma_wait3A_155 = tpu.memref_squeeze %dma_wait3A_154 : memref<1x32x1152xf32, #tpu.memory_space<vmem>> -> memref<32x1152xf32, #tpu.memory_space<vmem>>
    tpu.wait_dma2 semaphore(%dma_wait3A_149 : memref<!tpu.dma_semaphore, #tpu.memory_space<semaphore_mem>>) src(%dma_wait3A_155 : memref<32x1152xf32, #tpu.memory_space<vmem>>) dst(%dma_wait3A_151 : memref<32x1152xf32, #tpu.memory_space<hbm>>)
    %dma_start3A_156 = arith.constant 0 : i32
    %dma_start3A_157 = arith.constant 0 : i32
    %dma_start3A_158 = arith.constant 0 : i32
    %dma_start3A_159 = arith.constant 0 : i32
    %dma_start3A_160 = tpu.memref_slice %arg6[%dma_start3A_156, %dma_start3A_158, %dma_start3A_159] : memref<3x32x1152xf32, #tpu.memory_space<vmem>> -> memref<1x32x1152xf32, #tpu.memory_space<vmem>>
    %dma_start3A_161 = tpu.memref_squeeze %dma_start3A_160 : memref<1x32x1152xf32, #tpu.memory_space<vmem>> -> memref<32x1152xf32, #tpu.memory_space<vmem>>
    %dma_start3A_162 = arith.constant 960 : i32
    %dma_start3A_163 = tpu.memref_slice %arg5[%dma_start3A_162] : memref<1024xi32, #tpu.memory_space<vmem>> -> memref<32xi32, #tpu.memory_space<vmem>>
    %dma_start3A_164 = arith.constant 0 : i32
    %dma_start3A_165 = arith.constant 0 : i32
    %dma_start3A_166 = tpu.memref_slice %arg3[%dma_start3A_164, %dma_start3A_165] : memref<262144x1152xf32, #tpu.memory_space<hbm>> -> memref<262144x1152xf32, #tpu.memory_space<hbm>>
    %dma_start3A_167 = tpu.memref_slice %arg7[%dma_start3A_157] : memref<3x!tpu.dma_semaphore, #tpu.memory_space<semaphore_mem>> -> memref<1x!tpu.dma_semaphore, #tpu.memory_space<semaphore_mem>>
    %dma_start3A_168 = tpu.memref_squeeze %dma_start3A_167 : memref<1x!tpu.dma_semaphore, #tpu.memory_space<semaphore_mem>> -> memref<!tpu.dma_semaphore, #tpu.memory_space<semaphore_mem>>
    tpu.enqueue_indirect_dma source(%dma_start3A_166 : memref<262144x1152xf32, #tpu.memory_space<hbm>>) target(%dma_start3A_161 : memref<32x1152xf32, #tpu.memory_space<vmem>>) offsets(%dma_start3A_163 : memref<32xi32, #tpu.memory_space<vmem>>) semaphore(%dma_start3A_168 : memref<!tpu.dma_semaphore, #tpu.memory_space<semaphore_mem>>)
    %add3A_169 = arith.constant 896 : i32
    %add3A_170 = arith.addi %mul3A_2, %add3A_169 : i32
    %dma_wait3A_171 = arith.constant 1 : i32
    %dma_wait3A_172 = arith.constant 1 : i32
    %dma_wait3A_173 = arith.constant 0 : i32
    %dma_wait3A_174 = arith.constant 0 : i32
    %dma_wait3A_175 = tpu.memref_slice %arg6[%dma_wait3A_171, %dma_wait3A_173, %dma_wait3A_174] : memref<3x32x1152xf32, #tpu.memory_space<vmem>> -> memref<1x32x1152xf32, #tpu.memory_space<vmem>>
    %dma_wait3A_176 = tpu.memref_squeeze %dma_wait3A_175 : memref<1x32x1152xf32, #tpu.memory_space<vmem>> -> memref<32x1152xf32, #tpu.memory_space<vmem>>
    %dma_wait3A_177 = arith.constant 0 : i32
    %dma_wait3A_178 = tpu.memref_slice %arg4[%add3A_170, %dma_wait3A_177] : memref<32768x1152xf32, #tpu.memory_space<hbm>> -> memref<32x1152xf32, #tpu.memory_space<hbm>>
    %dma_wait3A_179 = tpu.memref_slice %arg8[%dma_wait3A_172] : memref<3x!tpu.dma_semaphore, #tpu.memory_space<semaphore_mem>> -> memref<1x!tpu.dma_semaphore, #tpu.memory_space<semaphore_mem>>
    %dma_wait3A_180 = tpu.memref_squeeze %dma_wait3A_179 : memref<1x!tpu.dma_semaphore, #tpu.memory_space<semaphore_mem>> -> memref<!tpu.dma_semaphore, #tpu.memory_space<semaphore_mem>>
    %dma_wait3A_181 = arith.constant 0 : i32
    %dma_wait3A_182 = tpu.memref_slice %arg4[%add3A_170, %dma_wait3A_181] : memref<32768x1152xf32, #tpu.memory_space<hbm>> -> memref<32x1152xf32, #tpu.memory_space<hbm>>
    %dma_wait3A_183 = arith.constant 0 : i32
    %dma_wait3A_184 = arith.constant 0 : i32
    %dma_wait3A_185 = tpu.memref_slice %arg6[%dma_wait3A_171, %dma_wait3A_183, %dma_wait3A_184] : memref<3x32x1152xf32, #tpu.memory_space<vmem>> -> memref<1x32x1152xf32, #tpu.memory_space<vmem>>
    %dma_wait3A_186 = tpu.memref_squeeze %dma_wait3A_185 : memref<1x32x1152xf32, #tpu.memory_space<vmem>> -> memref<32x1152xf32, #tpu.memory_space<vmem>>
    tpu.wait_dma2 semaphore(%dma_wait3A_180 : memref<!tpu.dma_semaphore, #tpu.memory_space<semaphore_mem>>) src(%dma_wait3A_186 : memref<32x1152xf32, #tpu.memory_space<vmem>>) dst(%dma_wait3A_182 : memref<32x1152xf32, #tpu.memory_space<hbm>>)
    %dma_start3A_187 = arith.constant 1 : i32
    %dma_start3A_188 = arith.constant 1 : i32
    %dma_start3A_189 = arith.constant 0 : i32
    %dma_start3A_190 = arith.constant 0 : i32
    %dma_start3A_191 = tpu.memref_slice %arg6[%dma_start3A_187, %dma_start3A_189, %dma_start3A_190] : memref<3x32x1152xf32, #tpu.memory_space<vmem>> -> memref<1x32x1152xf32, #tpu.memory_space<vmem>>
    %dma_start3A_192 = tpu.memref_squeeze %dma_start3A_191 : memref<1x32x1152xf32, #tpu.memory_space<vmem>> -> memref<32x1152xf32, #tpu.memory_space<vmem>>
    %dma_start3A_193 = arith.constant 992 : i32
    %dma_start3A_194 = tpu.memref_slice %arg5[%dma_start3A_193] : memref<1024xi32, #tpu.memory_space<vmem>> -> memref<32xi32, #tpu.memory_space<vmem>>
    %dma_start3A_195 = arith.constant 0 : i32
    %dma_start3A_196 = arith.constant 0 : i32
    %dma_start3A_197 = tpu.memref_slice %arg3[%dma_start3A_195, %dma_start3A_196] : memref<262144x1152xf32, #tpu.memory_space<hbm>> -> memref<262144x1152xf32, #tpu.memory_space<hbm>>
    %dma_start3A_198 = tpu.memref_slice %arg7[%dma_start3A_188] : memref<3x!tpu.dma_semaphore, #tpu.memory_space<semaphore_mem>> -> memref<1x!tpu.dma_semaphore, #tpu.memory_space<semaphore_mem>>
    %dma_start3A_199 = tpu.memref_squeeze %dma_start3A_198 : memref<1x!tpu.dma_semaphore, #tpu.memory_space<semaphore_mem>> -> memref<!tpu.dma_semaphore, #tpu.memory_space<semaphore_mem>>
    tpu.enqueue_indirect_dma source(%dma_start3A_197 : memref<262144x1152xf32, #tpu.memory_space<hbm>>) target(%dma_start3A_192 : memref<32x1152xf32, #tpu.memory_space<vmem>>) offsets(%dma_start3A_194 : memref<32xi32, #tpu.memory_space<vmem>>) semaphore(%dma_start3A_199 : memref<!tpu.dma_semaphore, #tpu.memory_space<semaphore_mem>>)
    %dma_wait3A_200 = arith.constant 0 : i32
    %dma_wait3A_201 = arith.constant 0 : i32
    %dma_wait3A_202 = arith.constant 0 : i32
    %dma_wait3A_203 = arith.constant 0 : i32
    %dma_wait3A_204 = tpu.memref_slice %arg6[%dma_wait3A_200, %dma_wait3A_202, %dma_wait3A_203] : memref<3x32x1152xf32, #tpu.memory_space<vmem>> -> memref<1x32x1152xf32, #tpu.memory_space<vmem>>
    %dma_wait3A_205 = tpu.memref_squeeze %dma_wait3A_204 : memref<1x32x1152xf32, #tpu.memory_space<vmem>> -> memref<32x1152xf32, #tpu.memory_space<vmem>>
    %dma_wait3A_206 = arith.constant 960 : i32
    %dma_wait3A_207 = tpu.memref_slice %arg5[%dma_wait3A_206] : memref<1024xi32, #tpu.memory_space<vmem>> -> memref<32xi32, #tpu.memory_space<vmem>>
    %dma_wait3A_208 = arith.constant 0 : i32
    %dma_wait3A_209 = arith.constant 0 : i32
    %dma_wait3A_210 = tpu.memref_slice %arg3[%dma_wait3A_208, %dma_wait3A_209] : memref<262144x1152xf32, #tpu.memory_space<hbm>> -> memref<262144x1152xf32, #tpu.memory_space<hbm>>
    %dma_wait3A_211 = tpu.memref_slice %arg7[%dma_wait3A_201] : memref<3x!tpu.dma_semaphore, #tpu.memory_space<semaphore_mem>> -> memref<1x!tpu.dma_semaphore, #tpu.memory_space<semaphore_mem>>
    %dma_wait3A_212 = tpu.memref_squeeze %dma_wait3A_211 : memref<1x!tpu.dma_semaphore, #tpu.memory_space<semaphore_mem>> -> memref<!tpu.dma_semaphore, #tpu.memory_space<semaphore_mem>>
    tpu.wait_indirect_dma semaphore(%dma_wait3A_212 : memref<!tpu.dma_semaphore, #tpu.memory_space<semaphore_mem>>) src(%dma_wait3A_210 : memref<262144x1152xf32, #tpu.memory_space<hbm>>) dst(%dma_wait3A_205 : memref<32x1152xf32, #tpu.memory_space<vmem>>)
    %add3A_213 = arith.constant 960 : i32
    %add3A_214 = arith.addi %mul3A_2, %add3A_213 : i32
    %dma_start3A_215 = arith.constant 0 : i32
    %dma_start3A_216 = arith.constant 0 : i32
    %dma_start3A_217 = arith.constant 0 : i32
    %dma_start3A_218 = arith.constant 0 : i32
    %dma_start3A_219 = tpu.memref_slice %arg6[%dma_start3A_215, %dma_start3A_217, %dma_start3A_218] : memref<3x32x1152xf32, #tpu.memory_space<vmem>> -> memref<1x32x1152xf32, #tpu.memory_space<vmem>>
    %dma_start3A_220 = tpu.memref_squeeze %dma_start3A_219 : memref<1x32x1152xf32, #tpu.memory_space<vmem>> -> memref<32x1152xf32, #tpu.memory_space<vmem>>
    %dma_start3A_221 = arith.constant 0 : i32
    %dma_start3A_222 = tpu.memref_slice %arg4[%add3A_214, %dma_start3A_221] : memref<32768x1152xf32, #tpu.memory_space<hbm>> -> memref<32x1152xf32, #tpu.memory_space<hbm>>
    %dma_start3A_223 = tpu.memref_slice %arg8[%dma_start3A_216] : memref<3x!tpu.dma_semaphore, #tpu.memory_space<semaphore_mem>> -> memref<1x!tpu.dma_semaphore, #tpu.memory_space<semaphore_mem>>
    %dma_start3A_224 = tpu.memref_squeeze %dma_start3A_223 : memref<1x!tpu.dma_semaphore, #tpu.memory_space<semaphore_mem>> -> memref<!tpu.dma_semaphore, #tpu.memory_space<semaphore_mem>>
    %dma_start3A_225 = arith.constant 0 : i32
    %dma_start3A_226 = tpu.memref_slice %arg4[%add3A_214, %dma_start3A_225] : memref<32768x1152xf32, #tpu.memory_space<hbm>> -> memref<32x1152xf32, #tpu.memory_space<hbm>>
    %dma_start3A_227 = arith.constant 0 : i32
    %dma_start3A_228 = arith.constant 0 : i32
    %dma_start3A_229 = tpu.memref_slice %arg6[%dma_start3A_215, %dma_start3A_227, %dma_start3A_228] : memref<3x32x1152xf32, #tpu.memory_space<vmem>> -> memref<1x32x1152xf32, #tpu.memory_space<vmem>>
    %dma_start3A_230 = tpu.memref_squeeze %dma_start3A_229 : memref<1x32x1152xf32, #tpu.memory_space<vmem>> -> memref<32x1152xf32, #tpu.memory_space<vmem>>
    tpu.enqueue_dma source(%dma_start3A_230 : memref<32x1152xf32, #tpu.memory_space<vmem>>) target(%dma_start3A_226 : memref<32x1152xf32, #tpu.memory_space<hbm>>) target_semaphore(%dma_start3A_224 : memref<!tpu.dma_semaphore, #tpu.memory_space<semaphore_mem>>)
    %dma_wait3A_231 = arith.constant 1 : i32
    %dma_wait3A_232 = arith.constant 1 : i32
    %dma_wait3A_233 = arith.constant 0 : i32
    %dma_wait3A_234 = arith.constant 0 : i32
    %dma_wait3A_235 = tpu.memref_slice %arg6[%dma_wait3A_231, %dma_wait3A_233, %dma_wait3A_234] : memref<3x32x1152xf32, #tpu.memory_space<vmem>> -> memref<1x32x1152xf32, #tpu.memory_space<vmem>>
    %dma_wait3A_236 = tpu.memref_squeeze %dma_wait3A_235 : memref<1x32x1152xf32, #tpu.memory_space<vmem>> -> memref<32x1152xf32, #tpu.memory_space<vmem>>
    %dma_wait3A_237 = arith.constant 992 : i32
    %dma_wait3A_238 = tpu.memref_slice %arg5[%dma_wait3A_237] : memref<1024xi32, #tpu.memory_space<vmem>> -> memref<32xi32, #tpu.memory_space<vmem>>
    %dma_wait3A_239 = arith.constant 0 : i32
    %dma_wait3A_240 = arith.constant 0 : i32
    %dma_wait3A_241 = tpu.memref_slice %arg3[%dma_wait3A_239, %dma_wait3A_240] : memref<262144x1152xf32, #tpu.memory_space<hbm>> -> memref<262144x1152xf32, #tpu.memory_space<hbm>>
    %dma_wait3A_242 = tpu.memref_slice %arg7[%dma_wait3A_232] : memref<3x!tpu.dma_semaphore, #tpu.memory_space<semaphore_mem>> -> memref<1x!tpu.dma_semaphore, #tpu.memory_space<semaphore_mem>>
    %dma_wait3A_243 = tpu.memref_squeeze %dma_wait3A_242 : memref<1x!tpu.dma_semaphore, #tpu.memory_space<semaphore_mem>> -> memref<!tpu.dma_semaphore, #tpu.memory_space<semaphore_mem>>
    tpu.wait_indirect_dma semaphore(%dma_wait3A_243 : memref<!tpu.dma_semaphore, #tpu.memory_space<semaphore_mem>>) src(%dma_wait3A_241 : memref<262144x1152xf32, #tpu.memory_space<hbm>>) dst(%dma_wait3A_236 : memref<32x1152xf32, #tpu.memory_space<vmem>>)
    %add3A_244 = arith.constant 992 : i32
    %add3A_245 = arith.addi %mul3A_2, %add3A_244 : i32
    %dma_start3A_246 = arith.constant 1 : i32
    %dma_start3A_247 = arith.constant 1 : i32
    %dma_start3A_248 = arith.constant 0 : i32
    %dma_start3A_249 = arith.constant 0 : i32
    %dma_start3A_250 = tpu.memref_slice %arg6[%dma_start3A_246, %dma_start3A_248, %dma_start3A_249] : memref<3x32x1152xf32, #tpu.memory_space<vmem>> -> memref<1x32x1152xf32, #tpu.memory_space<vmem>>
    %dma_start3A_251 = tpu.memref_squeeze %dma_start3A_250 : memref<1x32x1152xf32, #tpu.memory_space<vmem>> -> memref<32x1152xf32, #tpu.memory_space<vmem>>
    %dma_start3A_252 = arith.constant 0 : i32
    %dma_start3A_253 = tpu.memref_slice %arg4[%add3A_245, %dma_start3A_252] : memref<32768x1152xf32, #tpu.memory_space<hbm>> -> memref<32x1152xf32, #tpu.memory_space<hbm>>
    %dma_start3A_254 = tpu.memref_slice %arg8[%dma_start3A_247] : memref<3x!tpu.dma_semaphore, #tpu.memory_space<semaphore_mem>> -> memref<1x!tpu.dma_semaphore, #tpu.memory_space<semaphore_mem>>
    %dma_start3A_255 = tpu.memref_squeeze %dma_start3A_254 : memref<1x!tpu.dma_semaphore, #tpu.memory_space<semaphore_mem>> -> memref<!tpu.dma_semaphore, #tpu.memory_space<semaphore_mem>>
    %dma_start3A_256 = arith.constant 0 : i32
    %dma_start3A_257 = tpu.memref_slice %arg4[%add3A_245, %dma_start3A_256] : memref<32768x1152xf32, #tpu.memory_space<hbm>> -> memref<32x1152xf32, #tpu.memory_space<hbm>>
    %dma_start3A_258 = arith.constant 0 : i32
    %dma_start3A_259 = arith.constant 0 : i32
    %dma_start3A_260 = tpu.memref_slice %arg6[%dma_start3A_246, %dma_start3A_258, %dma_start3A_259] : memref<3x32x1152xf32, #tpu.memory_space<vmem>> -> memref<1x32x1152xf32, #tpu.memory_space<vmem>>
    %dma_start3A_261 = tpu.memref_squeeze %dma_start3A_260 : memref<1x32x1152xf32, #tpu.memory_space<vmem>> -> memref<32x1152xf32, #tpu.memory_space<vmem>>
    tpu.enqueue_dma source(%dma_start3A_261 : memref<32x1152xf32, #tpu.memory_space<vmem>>) target(%dma_start3A_257 : memref<32x1152xf32, #tpu.memory_space<hbm>>) target_semaphore(%dma_start3A_255 : memref<!tpu.dma_semaphore, #tpu.memory_space<semaphore_mem>>)
    %add3A_262 = arith.constant 928 : i32
    %add3A_263 = arith.addi %mul3A_2, %add3A_262 : i32
    %dma_wait3A_264 = arith.constant 2 : i32
    %dma_wait3A_265 = arith.constant 2 : i32
    %dma_wait3A_266 = arith.constant 0 : i32
    %dma_wait3A_267 = arith.constant 0 : i32
    %dma_wait3A_268 = tpu.memref_slice %arg6[%dma_wait3A_264, %dma_wait3A_266, %dma_wait3A_267] : memref<3x32x1152xf32, #tpu.memory_space<vmem>> -> memref<1x32x1152xf32, #tpu.memory_space<vmem>>
    %dma_wait3A_269 = tpu.memref_squeeze %dma_wait3A_268 : memref<1x32x1152xf32, #tpu.memory_space<vmem>> -> memref<32x1152xf32, #tpu.memory_space<vmem>>
    %dma_wait3A_270 = arith.constant 0 : i32
    %dma_wait3A_271 = tpu.memref_slice %arg4[%add3A_263, %dma_wait3A_270] : memref<32768x1152xf32, #tpu.memory_space<hbm>> -> memref<32x1152xf32, #tpu.memory_space<hbm>>
    %dma_wait3A_272 = tpu.memref_slice %arg8[%dma_wait3A_265] : memref<3x!tpu.dma_semaphore, #tpu.memory_space<semaphore_mem>> -> memref<1x!tpu.dma_semaphore, #tpu.memory_space<semaphore_mem>>
    %dma_wait3A_273 = tpu.memref_squeeze %dma_wait3A_272 : memref<1x!tpu.dma_semaphore, #tpu.memory_space<semaphore_mem>> -> memref<!tpu.dma_semaphore, #tpu.memory_space<semaphore_mem>>
    %dma_wait3A_274 = arith.constant 0 : i32
    %dma_wait3A_275 = tpu.memref_slice %arg4[%add3A_263, %dma_wait3A_274] : memref<32768x1152xf32, #tpu.memory_space<hbm>> -> memref<32x1152xf32, #tpu.memory_space<hbm>>
    %dma_wait3A_276 = arith.constant 0 : i32
    %dma_wait3A_277 = arith.constant 0 : i32
    %dma_wait3A_278 = tpu.memref_slice %arg6[%dma_wait3A_264, %dma_wait3A_276, %dma_wait3A_277] : memref<3x32x1152xf32, #tpu.memory_space<vmem>> -> memref<1x32x1152xf32, #tpu.memory_space<vmem>>
    %dma_wait3A_279 = tpu.memref_squeeze %dma_wait3A_278 : memref<1x32x1152xf32, #tpu.memory_space<vmem>> -> memref<32x1152xf32, #tpu.memory_space<vmem>>
    tpu.wait_dma2 semaphore(%dma_wait3A_273 : memref<!tpu.dma_semaphore, #tpu.memory_space<semaphore_mem>>) src(%dma_wait3A_279 : memref<32x1152xf32, #tpu.memory_space<vmem>>) dst(%dma_wait3A_275 : memref<32x1152xf32, #tpu.memory_space<hbm>>)
    %add3A_280 = arith.constant 960 : i32
    %add3A_281 = arith.addi %mul3A_2, %add3A_280 : i32
    %dma_wait3A_282 = arith.constant 0 : i32
    %dma_wait3A_283 = arith.constant 0 : i32
    %dma_wait3A_284 = arith.constant 0 : i32
    %dma_wait3A_285 = arith.constant 0 : i32
    %dma_wait3A_286 = tpu.memref_slice %arg6[%dma_wait3A_282, %dma_wait3A_284, %dma_wait3A_285] : memref<3x32x1152xf32, #tpu.memory_space<vmem>> -> memref<1x32x1152xf32, #tpu.memory_space<vmem>>
    %dma_wait3A_287 = tpu.memref_squeeze %dma_wait3A_286 : memref<1x32x1152xf32, #tpu.memory_space<vmem>> -> memref<32x1152xf32, #tpu.memory_space<vmem>>
    %dma_wait3A_288 = arith.constant 0 : i32
    %dma_wait3A_289 = tpu.memref_slice %arg4[%add3A_281, %dma_wait3A_288] : memref<32768x1152xf32, #tpu.memory_space<hbm>> -> memref<32x1152xf32, #tpu.memory_space<hbm>>
    %dma_wait3A_290 = tpu.memref_slice %arg8[%dma_wait3A_283] : memref<3x!tpu.dma_semaphore, #tpu.memory_space<semaphore_mem>> -> memref<1x!tpu.dma_semaphore, #tpu.memory_space<semaphore_mem>>
    %dma_wait3A_291 = tpu.memref_squeeze %dma_wait3A_290 : memref<1x!tpu.dma_semaphore, #tpu.memory_space<semaphore_mem>> -> memref<!tpu.dma_semaphore, #tpu.memory_space<semaphore_mem>>
    %dma_wait3A_292 = arith.constant 0 : i32
    %dma_wait3A_293 = tpu.memref_slice %arg4[%add3A_281, %dma_wait3A_292] : memref<32768x1152xf32, #tpu.memory_space<hbm>> -> memref<32x1152xf32, #tpu.memory_space<hbm>>
    %dma_wait3A_294 = arith.constant 0 : i32
    %dma_wait3A_295 = arith.constant 0 : i32
    %dma_wait3A_296 = tpu.memref_slice %arg6[%dma_wait3A_282, %dma_wait3A_294, %dma_wait3A_295] : memref<3x32x1152xf32, #tpu.memory_space<vmem>> -> memref<1x32x1152xf32, #tpu.memory_space<vmem>>
    %dma_wait3A_297 = tpu.memref_squeeze %dma_wait3A_296 : memref<1x32x1152xf32, #tpu.memory_space<vmem>> -> memref<32x1152xf32, #tpu.memory_space<vmem>>
    tpu.wait_dma2 semaphore(%dma_wait3A_291 : memref<!tpu.dma_semaphore, #tpu.memory_space<semaphore_mem>>) src(%dma_wait3A_297 : memref<32x1152xf32, #tpu.memory_space<vmem>>) dst(%dma_wait3A_293 : memref<32x1152xf32, #tpu.memory_space<hbm>>)
    %add3A_298 = arith.constant 992 : i32
    %add3A_299 = arith.addi %mul3A_2, %add3A_298 : i32
    %dma_wait3A_300 = arith.constant 1 : i32
    %dma_wait3A_301 = arith.constant 1 : i32
    %dma_wait3A_302 = arith.constant 0 : i32
    %dma_wait3A_303 = arith.constant 0 : i32
    %dma_wait3A_304 = tpu.memref_slice %arg6[%dma_wait3A_300, %dma_wait3A_302, %dma_wait3A_303] : memref<3x32x1152xf32, #tpu.memory_space<vmem>> -> memref<1x32x1152xf32, #tpu.memory_space<vmem>>
    %dma_wait3A_305 = tpu.memref_squeeze %dma_wait3A_304 : memref<1x32x1152xf32, #tpu.memory_space<vmem>> -> memref<32x1152xf32, #tpu.memory_space<vmem>>
    %dma_wait3A_306 = arith.constant 0 : i32
    %dma_wait3A_307 = tpu.memref_slice %arg4[%add3A_299, %dma_wait3A_306] : memref<32768x1152xf32, #tpu.memory_space<hbm>> -> memref<32x1152xf32, #tpu.memory_space<hbm>>
    %dma_wait3A_308 = tpu.memref_slice %arg8[%dma_wait3A_301] : memref<3x!tpu.dma_semaphore, #tpu.memory_space<semaphore_mem>> -> memref<1x!tpu.dma_semaphore, #tpu.memory_space<semaphore_mem>>
    %dma_wait3A_309 = tpu.memref_squeeze %dma_wait3A_308 : memref<1x!tpu.dma_semaphore, #tpu.memory_space<semaphore_mem>> -> memref<!tpu.dma_semaphore, #tpu.memory_space<semaphore_mem>>
    %dma_wait3A_310 = arith.constant 0 : i32
    %dma_wait3A_311 = tpu.memref_slice %arg4[%add3A_299, %dma_wait3A_310] : memref<32768x1152xf32, #tpu.memory_space<hbm>> -> memref<32x1152xf32, #tpu.memory_space<hbm>>
    %dma_wait3A_312 = arith.constant 0 : i32
    %dma_wait3A_313 = arith.constant 0 : i32
    %dma_wait3A_314 = tpu.memref_slice %arg6[%dma_wait3A_300, %dma_wait3A_312, %dma_wait3A_313] : memref<3x32x1152xf32, #tpu.memory_space<vmem>> -> memref<1x32x1152xf32, #tpu.memory_space<vmem>>
    %dma_wait3A_315 = tpu.memref_squeeze %dma_wait3A_314 : memref<1x32x1152xf32, #tpu.memory_space<vmem>> -> memref<32x1152xf32, #tpu.memory_space<vmem>>
    tpu.wait_dma2 semaphore(%dma_wait3A_309 : memref<!tpu.dma_semaphore, #tpu.memory_space<semaphore_mem>>) src(%dma_wait3A_315 : memref<32x1152xf32, #tpu.memory_space<vmem>>) dst(%dma_wait3A_311 : memref<32x1152xf32, #tpu.memory_space<hbm>>)
    return
  }
}

</mosaic_0001>

<sc_bundles>
// kernel: kernel.3.cloned.1.call-start
scs
__scs_entry_jumppad:
0x0: {  	(pc) =	sbr.rel $0x88, $3  }
0x1: {  	(tag) =	ssettag $0x0;
	lr =	simm.s32 $0x1  }
0x2: {  	[smem:$0x3F9F] =	sst lr;
	_ =	strace $0xD0000000  }
0x3: {  	_ = 	snop  }
0x4: {  	_ = 	snop  }
0x5: {  	_ = 	snop  }
0x6: {  	_ = 	snop  }
0x7: {  	_ = 	snop  }
__scs_overlays_trampoline_lowered:
0x8: {  	[smem:$0x3FAE] =	sst s0  }
0x9: {  	[smem:$0x3FAF] =	sst s1  }
0xa: {  	[smem:$0x3FB0] =	sst s2  }
0xb: {  	[smem:$0x3FB1] =	sst s3  }
0xc: {  	[smem:$0x3FB2] =	sst s4  }
0xd: {  	[smem:$0x3FB3] =	sst s5  }
0xe: {  	[smem:$0x3FB4] =	sst s6  }
0xf: {  	[smem:$0x3FB5] =	sst s7  }
0x10: {  	[smem:$0x3FB6] =	sst s8  }
0x11: {  	[smem:$0x3FB7] =	sst s9;
	s0 =	simm.s32 @!p0 $0x0  }
0x12: {  	s1 =	sld [smem:$0x3F9D];
	s0 =	simm.s32 @p0 $0x1  }
0x13: {  	[smem:$0x3FB8] =	sst s0;
	s0 =	simm.s32 @!p1 $0x0  }
0x14: {  	s2 =	sld [smem:$0x3F9C];
	s0 =	simm.s32 @p1 $0x1  }
0x15: {  	[smem:$0x3FB9] =	sst s0;
	s0 =	simm.s32 @!p2 $0x0  }
0x16: {  	s3 =	sld [smem:$0x3FDB];
	s0 =	simm.s32 @p2 $0x1  }
0x17: {  	s4 =	simm.s32 $0x1BF5;
	[smem:$0x3FBB] =	sst s0  }
0x18: {  	s0 =	sld [smem:$0x3F9E];
	_ =	swait.ge [sflag:s4], $0x0  }
0x19: {  	s7 =	sld [smem:$0x3F9F]  }
0x1a: {  	s8 =	sadd.s32 $0xFFFFE003, lr  }
0x1b: {  	s9 =	sadd.s32 $0xFFFFFEF7, lr;
	s5 =	simm.s32 $0xFFFFFFFF;
	p2 =	slt.u32 s8, $0xFFFFF086  }
0x1c: {  	p1 =	slt.u32 s9, $0xF7A;
	s5 =	simm.s32 @!p2 $0x0  }
0x1d: {  	s5 =	simm.s32 @p1 $0x1;
	p0 =	seq.s32 s7, s2  }
0x1e: {  	s7 =	smul.u32 @!p0 $0xF7A, s2;
	p2 =	seq.s32 @!p0 s5, $0x0  }
0x1f: {  	s9 =	smul.u32 $0xF7A, s1;
	s8 =	simm.s32 @!p0 $0x1BF5;
	p2 =	por !p2, p0  }
0x20: {  	[sflag:s8] =	ssyncset.s32 @!p0 $0xFFFFF086;
	s6 =	sadd.s32 @!p0 s3, s7;
	s7 =	simm.s32 @!p0 $0x108  }
0x21: {  	s3 =	sadd.s32 s3, s9;
	s6 =	sadd.s32 @!p0 $0x88, s6;
	s7 =	simm.s32 @p2 $0x1082  }
0x22: {  	[simem:s7], [sflag:s8] =	dma.local @!p0 [hbm:s6], $0xF7A  }
0x23: {  	s9 =	sor.u32 $0xD0000000, s2;
	s6 =	simm.s32 $0x108;
	_ =	swait.ge @!p0 [sflag:s8], $0x0  }
0x24: {  	s3 =	sadd.s32 $0x88, s3;
	s6 =	simm.s32 @!p1 $0x1082;
	[sflag:s4] =	ssyncset.s32 $0xFFFFF086  }
0x25: {  	[simem:s6], [sflag:s4] =	dma.local [hbm:s3], $0xF7A  }
0x26: {  	[smem:$0x3F9F] =	sst s1;
	(tag) =	ssettag s2;
	_ =	strace s9  }
0x27: {  	s1 =	sld [smem:$0x3FAF]  }
0x28: {  	s2 =	sld [smem:$0x3FB0]  }
0x29: {  	s4 =	sld [smem:$0x3FB2]  }
0x2a: {  	p0 =	seq.s32 s5, $0x0;
	s5 =	sld [smem:$0x3FB3]  }
0x2b: {  	s6 =	sld [smem:$0x3FB4]  }
0x2c: {  	s7 =	sld [smem:$0x3FB5]  }
0x2d: {  	s3 =	simm.s32 $0x108;
	s8 =	sld [smem:$0x3FB6]  }
0x2e: {  	s3 =	simm.s32 @!p0 $0x1082;
	s9 =	sld [smem:$0x3FB7]  }
0x2f: {  	lr =	sadd.s32 s0, s3;
	s0 =	sld [smem:$0x3FAE]  }
0x30: {  	s3 =	sld [smem:$0x3FB1]  }
0x31: {  	[smem:$0x3FBA] =	sst s10  }
0x32: {  	s10 =	sld [smem:$0x3FB8];
	_ =	sdelay $0x3  }
0x33: {  	p0 =	seq.s32 s10, $0x1;
	s10 =	sld [smem:$0x3FBA];
	_ =	sdelay $0x3  }
0x34: {  	[smem:$0x3FBA] =	sst s10  }
0x35: {  	s10 =	sld [smem:$0x3FB9];
	_ =	sdelay $0x3  }
0x36: {  	p1 =	seq.s32 s10, $0x1;
	s10 =	sld [smem:$0x3FBA];
	_ =	sdelay $0x3  }
0x37: {  	[smem:$0x3FBA] =	sst s10  }
0x38: {  	s10 =	sld [smem:$0x3FBB]  }
0x39: {  	_ = 	snop;
	(pc) =	sbr.ind lr, $3  }
0x3a: {  	_ = 	snop  }
0x3b: {  	_ = 	snop  }
0x3c: {  	p2 =	seq.s32 s10, $0x1;
	s10 =	sld [smem:$0x3FBA]  }
0x3d: {  	_ =	shalt  }
0x3e: {  	_ =	shalt  }
0x3f: {  	_ =	shalt  }
0x40: {  	_ =	shalt  }
0x41: {  	_ =	shalt  }
0x42: {  	_ =	shalt  }
0x43: {  	_ =	shalt  }
0x44: {  	_ =	shalt  }
0x45: {  	_ =	shalt  }
0x46: {  	_ =	shalt  }
0x47: {  	_ =	shalt  }
0x48: {  	_ =	shalt  }
0x49: {  	_ =	shalt  }
0x4a: {  	_ =	shalt  }
0x4b: {  	_ =	shalt  }
0x4c: {  	_ =	shalt  }
0x4d: {  	_ =	shalt  }
0x4e: {  	_ =	shalt  }
0x4f: {  	_ =	shalt  }
0x50: {  	_ =	shalt  }
0x51: {  	_ =	shalt  }
0x52: {  	_ =	shalt  }
0x53: {  	_ =	shalt  }
0x54: {  	_ =	shalt  }
0x55: {  	_ =	shalt  }
0x56: {  	_ =	shalt  }
0x57: {  	_ =	shalt  }
0x58: {  	_ =	shalt  }
0x59: {  	_ =	shalt  }
0x5a: {  	_ =	shalt  }
0x5b: {  	_ =	shalt  }
0x5c: {  	_ =	shalt  }
0x5d: {  	_ =	shalt  }
0x5e: {  	_ =	shalt  }
0x5f: {  	_ =	shalt  }
0x60: {  	_ =	shalt  }
0x61: {  	_ =	shalt  }
0x62: {  	_ =	shalt  }
0x63: {  	_ =	shalt  }
0x64: {  	_ =	shalt  }
0x65: {  	_ =	shalt  }
0x66: {  	_ =	shalt  }
0x67: {  	_ =	shalt  }
0x68: {  	_ =	shalt  }
0x69: {  	_ =	shalt  }
0x6a: {  	_ =	shalt  }
0x6b: {  	_ =	shalt  }
0x6c: {  	_ =	shalt  }
0x6d: {  	_ =	shalt  }
0x6e: {  	_ =	shalt  }
0x6f: {  	_ =	shalt  }
0x70: {  	_ =	shalt  }
0x71: {  	_ =	shalt  }
0x72: {  	_ =	shalt  }
0x73: {  	_ =	shalt  }
0x74: {  	_ =	shalt  }
0x75: {  	_ =	shalt  }
0x76: {  	_ =	shalt  }
0x77: {  	_ =	shalt  }
0x78: {  	_ =	shalt  }
0x79: {  	_ =	shalt  }
0x7a: {  	_ =	shalt  }
0x7b: {  	_ =	shalt  }
0x7c: {  	_ =	shalt  }
0x7d: {  	_ =	shalt  }
0x7e: {  	_ =	shalt  }
0x7f: {  	_ =	shalt  }
0x80: {  	_ =	shalt  }
0x81: {  	_ =	shalt  }
0x82: {  	_ =	shalt  }
0x83: {  	_ =	shalt  }
0x84: {  	_ =	shalt  }
0x85: {  	_ =	shalt  }
0x86: {  	_ =	shalt  }
0x87: {  	_ =	shalt  }
.Lfunc_end0:
.L_simem_size_0:
called_computation_lowered:
.L_overlay_start_0:
0x88: {  	s2 =	sld [smem:$0x3FD9]  }
0x89: {  	s3 =	sld [smem:$0x3FFE];
	_ =	sdelay $0x1  }
0x8a: {  	s1 =	srdreg.scid  }
0x8b: {  	s0 =	sand.u32 $0x1, s1  }
0x8c: {  	s17 =	sshll.u32 s0, $0xA;
	s2 =	sadd.s32 s3, s2  }
0x8d: {  	s2 =	sadd.s32 s2, s17  }
0x8e: {  	[smem:$0x3FC6] =	sst s2  }
0x8f: {  	_ = 	snop  }
0x90: {  	s2 =	sld [smem:$0x3FC8]  }
0x91: {  	s18 =	sld [smem:$0x3FD0];
	(tm) =	ssettm $0x1  }
0x92: {  	s4 =	sld [smem:$0x3FFB];
	_ =	sdelay $0x3  }
0x93: {  	_ =	strace s4  }
0x94: {  	s4 =	sld [smem:$0x3FFC];
	_ =	sdelay $0x3  }
0x95: {  	_ =	strace s4  }
0x96: {  	s4 =	sld [smem:$0x3FFD];
	_ =	sdelay $0x3  }
0x97: {  	_ =	strace s4  }
0x98: {  	_ =	strace $0x8FFFFFFF  }
0x99: {  	s19 =	sld [smem:$0x3FDB];
	_ =	sdelay $0x1  }
0x9a: {  	s5 =	simm.s32 $_scs_section_size  }
0x9b: {  	s6 =	simm.s32 $_size__tile_overlayer_lowered;
	s7 =	simm.s32 $_tile_overlayer_lowered  }
0x9c: {  	s22 =	simm.s32 $0x1BFF;
	s21 =	sshll.u32 s7, $0x1;
	s4 =	sadd.s32 s5, s19  }
0x9d: {  	s8 =	simm.s32 $0x0;
	s20 =	sshll.u32 s6, $0x1;
	s6 =	sadd.s32 s21, s4  }
0x9e: {  	[timem:s8], [sflag:s22] =	dma.local [hbm:s6], s20  }
0x9f: {  	_ =	swait.ge [sflag:s22], s20  }
0xa0: {  	s5 =	ssub.s32 $0x0, s20;
	[sflag:s22] =	ssyncset.done $0x0  }
0xa1: {  	[sflag:s22] =	ssyncadd.s32 s5;
	_ =	sdelay $0x1  }
0xa2: {  	s23 =	simm.s32 $0x1B8B  }
0xa3: {  	_ =	swait.ge [sflag:s23], $0x1  }
0xa4: {  	[sflag:s23] =	ssyncset.done $0x0  }
0xa5: {  	s25 =	simm.s32 $0x1B8E;
	s24 =	sld [smem:$0x3FFE];
	[sflag:s23] =	ssyncadd.s32 $0xFFFFFFFF  }
0xa6: {  	s26 =	simm.s32 $execute0_lowered;
	[smem:$0x3FD2] =	sst s25  }
0xa7: {  	s6 =	sshll.u32 s26, $0x1;
	_ =	strace $0x80000046;
	[dreg:$0x1] =	wrdreg $0xFFFFFFFF  }
0xa8: {  	s28 =	simm.s32 $_size_execute0_lowered;
	s4 =	sadd.s32 s4, s6;
	[dreg:$0x0] =	wrdreg $0x0  }
0xa9: {  	s6 =	sshll.u32 s28, $0x1;
	[dreg:$0x2] =	wrdreg s4  }
0xaa: {  	[dreg:$0x3] =	wrdreg s6  }
0xab: {  	[dreg:$0x4] =	wrdreg $0xC0  }
0xac: {  	_ =	task [dreg:s8], $0x5FFFF  }
0xad: {  	[dreg:$0x1] =	wrdreg $0xFFFFFFFF  }
0xae: {  	[dreg:$0x0] =	wrdreg $0x60  }
0xaf: {  	[dreg:$0x2] =	wrdreg s24  }
0xb0: {  	[dreg:$0x3] =	wrdreg s2  }
0xb1: {  	[dreg:$0x4] =	wrdreg s18  }
0xb2: {  	[dreg:$0x5] =	wrdreg $0x9  }
0xb3: {  	_ =	task.clear_ibuf [dreg:s8], $0x6FFFF;
	_ =	strace $0x90000046  }
0xb4: {  	s29 =	simm.s32 $0x9;
	_ =	strace $0x80000048  }
0xb5: {  	_ =	swait.ge [sflag:s29], $0x1  }
0xb6: {  	[sflag:s29] =	ssyncadd.s32 $0xFFFFFFFF  }
0xb7: {  	_ =	strace $0x90000048  }
0xb8: {  	_ =	sfence  }
0xb9: {  	s30 =	sld [smem:$0x0];
	_ =	sdelay $0x2  }
0xba: {  	s31 =	sshll.u32 s1, $0xD;
	s1 =	sshrl.u32 s1, $0x2  }
0xbb: {  	s3 =	sand.u32 $0x4000, s31;
	s1 =	sadd.s32 s1, s30  }
0xbc: {  	s0 =	sor.u32 s3, s0;
	s1 =	sshll.u32 s1, $0x11  }
0xbd: {  	s0 =	sor.u32 s1, s0  }
0xbe: {  	s0 =	sadd.s32 $0x8F2B, s0  }
0xbf: {  	[sflag:s0] =	ssyncadd.remote.s32 $0x1  }
0xc0: {  	_ =	sfence.sel $0xFFFF  }
0xc1: {  	[dreg:$0x0] =	wrdreg $0xFFFFFFFF;
	(pc) =	sbr.abs _section_cstart, $3  }
0xc2: {  	[dreg:$0x1] =	wrdreg $0xFFFFFFFF  }
0xc3: {  	_ =	task.clear_ibuf [dreg:s8], $0x2FFFF;
	_ =	strace $0x9FFFFFFF  }
0xc4: {  	(tm) =	ssettm $0x7FFFFFFF  }
0xc5: {  	_ =	shalt  }
tec
execute0_lowered:
.L_overlay_start_1:
0x0: {  	(tag) =	ssettag $0x1  }
0x1: {  	s0 =	rddreg [dreg:$0x0]  }
0x2: {  	s1 =	srdreg.scid;
	s2 =	rddreg [dreg:$0x1]  }
0x3: {  	s3 =	stileid.u32;
	s4 =	rddreg [dreg:$0x2]  }
0x4: {  	s31 =	simm.s32 $0x400;
	s19 =	simm.s32 $0x12400;
	s29 =	simm.s32 $0x12C00  }
0x5: {  	s28 =	simm.s32 $0x13C00;
	s30 =	simm.s32 $0x14800;
	s13 =	simm.s32 $0x18C00  }
0x6: {  	s16 =	simm.s32 $0x19000;
	s14 =	simm.s32 $0x2;
	s15 =	simm.s32 $0x4  }
0x7: {  	s17 =	simm.s32 $0x6;
	s18 =	simm.s32 $0x0;
	s1 =	sand.u32 $0x1, s1  }
0x8: {  	s5 =	sshll.u32 s3, $0xB;
	s3 =	simm.s32 $0x0;
	s8 =	sadd.s32 $0x400, s2  }
0x9: {  	s6 =	sshll.u32 s1, $0xA;
	[smem:$0x7FF] =	sst s3;
	s1 =	ssub.s32 $0x2, s1  }
0xa: {  	s9 =	sor.u32 s6, s5;
	s20 =	sshrl.u32 s1, $0x1;
	_ =	strace $0x80000047  }
0xb: {  	s5 =	sadd.s32 $0x100, s2;
	s6 =	sadd.s32 $0x200, s2;
	[dreg:$0xe] =	wrdreg s18  }
0xc: {  	s10 =	sshrl.u32 s9, $0x3;
	s1 =	ssub.s32 s1, s20;
	s23 =	sor.u32 $0x20, s9  }
0xd: {  	s9 =	sor.u32 $0x40, s9;
	s20 =	simm.s32 $0x15000;
	s7 =	smul.u32 $0x2400, s10  }
0xe: {  	s0 =	sadd.s32 s10, s0;
	s10 =	smul.u32 $0x480, s10;
	s1 =	smax.u32 s1, $0x1  }
0xf: {  	s9 =	sshrl.u32 s9, $0x3;
	s0 =	sadd.s32 $0x400, s0;
	[dreg:$0xd] =	wrdreg s1  }
0x10: {  	s9 =	smul.u32 $0x480, s9;
	s1 =	simm.s32 $0x15800;
	[dreg:$0x7] =	wrdreg s0  }
0x11: {  	s21 =	sshrl.u32 s7, $0x3;
	s7 =	sadd.s32 $0x300, s2;
	s10 =	sadd.s32 s10, s4  }
0x12: {  	s0 =	sadd.s32 s4, s21;
	[dreg:$0x4] =	wrdreg s10;
	s26 =	sadd.s32 s9, s4  }
0x13: {  	s9 =	simm.s32 $0x16000;
	s11 =	sadd.s32 $0x1E600, s0;
	[dreg:$0x6] =	wrdreg s26  }
0x14: {  	s21 =	simm.s32 $0x16800;
	s22 =	sadd.s32 $0x1F800, s0;
	[dreg:$0x8] =	wrdreg s11  }
0x15: {  	s10 =	simm.s32 $0x16C00;
	s12 =	sadd.s32 $0x20A00, s0;
	[dreg:$0x9] =	wrdreg s22  }
0x16: {  	s24 =	sadd.s32 $0x21C00, s0;
	s0 =	sadd.s32 $0x22E00, s0;
	[dreg:$0xa] =	wrdreg s12  }
0x17: {  	s26 =	simm.s32 $0x5;
	s11 =	sshrl.u32 s23, $0x3;
	[dreg:$0xb] =	wrdreg s24  }
0x18: {  	[dreg:$0xc] =	wrdreg s0;
	s0 =	simm.s32 $0x13400;
	s11 =	smul.u32 $0x480, s11  }
0x19: {  	v2 =	vlaneseq.u32;
	s22 =	simm.s32 $0x17400;
	s12 =	simm.s32 $0x17C00;
	s23 =	simm.s32 $0x18400  }
0x1a: {  	vm0 =	vmmov $0xffff;
	vm1 =	vmmov $0xff;
	v1 =	vshrl.u32 v2, $0x3;
	s24 =	simm.s32 $0x1;
	s25 =	sadd.s32 s11, s4;
	s11 =	simm.s32 $0x9400  }
0x1b: {  	v0 =	vand.u32 $0x7, v2;
	v2 =	vor.u32 $0x8, v2;
	v1 =	vmul.u32 $0x8, v1;
	s4 =	simm.s32 $0x14400;
	[dreg:$0x5] =	wrdreg s25;
	s25 =	simm.s32 $0x3  }
.LBB2_1:
0x1c: {  	s18 =	rddreg [dreg:$0x7]  }
0x1d: {  	[tilespmem:s3], [sflag:$0x7] =	stream.linear.gather [hbm4b:s18+s3], $0x400, $0x38;
	[tilespmem:$0x1B400] =	vst v63  }
0x1e: {  	s18 =	simm.s32 $0x7  }
0x1f: {  	_ =	swait.ge [sflag:s18], $0x400  }
0x20: {  	[sflag:s18] =	ssyncset.done $0x0  }
0x21: {  	[sflag:s18] =	ssyncadd.s32 $0xFFFFFC00  }
0x22: {  	v3 =	vld [tilespmem:$0x0];
	_ =	sdelay $0x4  }
0x23: {  	v4 =	vshrl.u32 v3, $0x3  }
0x24: {  	v4 =	vmul.u32 $0x48, v4  }
0x25: {  	v3 =	vand.u32 $0x7, v3  }
0x26: {  	v3 =	vor.u32 v3, v4  }
0x27: {  	v4 =	vperm.xlane v3, v0;
	_ =	sdelay $0x1  }
0x28: {  	v4 =	vadd.s32 v1, v4;
	_ =	sdelay $0x4  }
0x29: {  	[tilespmem:s31], [sflag:$0x1] =	stream.indirect_vreg.gather [hbm4b:s2+s3], $0x80, v4, vm0, $0xb8;
	[tilespmem:$0x1B400] =	vst v63  }
0x2a: {  	s18 =	simm.s32 $0xC00  }
0x2b: {  	[tilespmem:s18], [sflag:$0x1] =	stream.indirect_vreg.gather [hbm4b:s5+s3], $0x80, v4, vm0, $0xb8;
	[tilespmem:$0x1B400] =	vst v63  }
0x2c: {  	v3 =	vperm.xlane v3, v2;
	s18 =	simm.s32 $0x1400  }
0x2d: {  	[tilespmem:s18], [sflag:$0x1] =	stream.indirect_vreg.gather [hbm4b:s6+s3], $0x80, v4, vm0, $0xb8;
	[tilespmem:$0x1B400] =	vst v63  }
0x2e: {  	v3 =	vadd.s32 v1, v3;
	s18 =	simm.s32 $0x1C00  }
0x2f: {  	[tilespmem:s18], [sflag:$0x1] =	stream.indirect_vreg.gather [hbm4b:s7+s3], $0x80, v4, vm0, $0xb8;
	[tilespmem:$0x1B400] =	vst v63  }
0x30: {  	s18 =	simm.s32 $0x2400  }
0x31: {  	[tilespmem:s18], [sflag:$0x1] =	stream.indirect_vreg.gather [hbm4b:s8+s3], $0x80, v4, vm1, $0xb8;
	[tilespmem:$0x1B400] =	vst v63  }
0x32: {  	s18 =	simm.s32 $0x2800  }
0x33: {  	[tilespmem:s18], [sflag:$0x1] =	stream.indirect_vreg.gather [hbm4b:s2+s3], $0x80, v3, vm0, $0xb8;
	[tilespmem:$0x1B400] =	vst v63  }
0x34: {  	s18 =	simm.s32 $0x3000  }
0x35: {  	[tilespmem:s18], [sflag:$0x1] =	stream.indirect_vreg.gather [hbm4b:s5+s3], $0x80, v3, vm0, $0xb8;
	[tilespmem:$0x1B400] =	vst v63  }
0x36: {  	s18 =	simm.s32 $0x3800  }
0x37: {  	[tilespmem:s18], [sflag:$0x1] =	stream.indirect_vreg.gather [hbm4b:s6+s3], $0x80, v3, vm0, $0xb8;
	[tilespmem:$0x1B400] =	vst v63  }
0x38: {  	s18 =	simm.s32 $0x4000  }
0x39: {  	[tilespmem:s18], [sflag:$0x1] =	stream.indirect_vreg.gather [hbm4b:s7+s3], $0x80, v3, vm0, $0xb8;
	[tilespmem:$0x1B400] =	vst v63  }
0x3a: {  	s18 =	simm.s32 $0x4800  }
0x3b: {  	[tilespmem:s18], [sflag:$0x1] =	stream.indirect_vreg.gather [hbm4b:s8+s3], $0x80, v3, vm1, $0xb8;
	[tilespmem:$0x1B400] =	vst v63  }
0x3c: {  	v3 =	vld [tilespmem:$0x10];
	_ =	sdelay $0x4  }
0x3d: {  	v59 =	vshrl.u32 v3, $0x3  }
0x3e: {  	v4 =	vmul.u32 $0x48, v59  }
0x3f: {  	v3 =	vand.u32 $0x7, v3  }
0x40: {  	v3 =	vor.u32 v3, v4  }
0x41: {  	v4 =	vperm.xlane v3, v0;
	_ =	sdelay $0x1  }
0x42: {  	v4 =	vadd.s32 v1, v4;
	_ =	sdelay $0x3  }
0x43: {  	s18 =	simm.s32 $0x4C00  }
0x44: {  	[tilespmem:s18], [sflag:$0x1] =	stream.indirect_vreg.gather [hbm4b:s2+s3], $0x80, v4, vm0, $0xb8;
	[tilespmem:$0x1B400] =	vst v63  }
0x45: {  	s18 =	simm.s32 $0x5400  }
0x46: {  	[tilespmem:s18], [sflag:$0x1] =	stream.indirect_vreg.gather [hbm4b:s5+s3], $0x80, v4, vm0, $0xb8;
	[tilespmem:$0x1B400] =	vst v63  }
0x47: {  	v3 =	vperm.xlane v3, v2;
	s18 =	simm.s32 $0x5C00  }
0x48: {  	[tilespmem:s18], [sflag:$0x1] =	stream.indirect_vreg.gather [hbm4b:s6+s3], $0x80, v4, vm0, $0xb8;
	[tilespmem:$0x1B400] =	vst v63  }
0x49: {  	v3 =	vadd.s32 v1, v3;
	s18 =	simm.s32 $0x6400  }
0x4a: {  	[tilespmem:s18], [sflag:$0x1] =	stream.indirect_vreg.gather [hbm4b:s7+s3], $0x80, v4, vm0, $0xb8;
	[tilespmem:$0x1B400] =	vst v63  }
0x4b: {  	s18 =	simm.s32 $0x6C00  }
0x4c: {  	[tilespmem:s18], [sflag:$0x1] =	stream.indirect_vreg.gather [hbm4b:s8+s3], $0x80, v4, vm1, $0xb8;
	[tilespmem:$0x1B400] =	vst v63  }
0x4d: {  	s18 =	simm.s32 $0x7000  }
0x4e: {  	[tilespmem:s18], [sflag:$0x1] =	stream.indirect_vreg.gather [hbm4b:s2+s3], $0x80, v3, vm0, $0xb8;
	[tilespmem:$0x1B400] =	vst v63  }
0x4f: {  	s18 =	simm.s32 $0x7800  }
0x50: {  	[tilespmem:s18], [sflag:$0x1] =	stream.indirect_vreg.gather [hbm4b:s5+s3], $0x80, v3, vm0, $0xb8;
	[tilespmem:$0x1B400] =	vst v63  }
0x51: {  	s18 =	simm.s32 $0x8000  }
0x52: {  	[tilespmem:s18], [sflag:$0x1] =	stream.indirect_vreg.gather [hbm4b:s6+s3], $0x80, v3, vm0, $0xb8;
	[tilespmem:$0x1B400] =	vst v63  }
0x53: {  	s18 =	simm.s32 $0x8800  }
0x54: {  	[tilespmem:s18], [sflag:$0x1] =	stream.indirect_vreg.gather [hbm4b:s7+s3], $0x80, v3, vm0, $0xb8;
	[tilespmem:$0x1B400] =	vst v63  }
0x55: {  	s18 =	simm.s32 $0x9000  }
0x56: {  	[tilespmem:s18], [sflag:$0x1] =	stream.indirect_vreg.gather [hbm4b:s8+s3], $0x80, v3, vm1, $0xb8;
	[tilespmem:$0x1B400] =	vst v63  }
0x57: {  	v3 =	vld [tilespmem:$0x20];
	_ =	sdelay $0x4  }
0x58: {  	v60 =	vshrl.u32 v3, $0x3  }
0x59: {  	v4 =	vmul.u32 $0x48, v60  }
0x5a: {  	v3 =	vand.u32 $0x7, v3  }
0x5b: {  	v3 =	vor.u32 v3, v4  }
0x5c: {  	v4 =	vperm.xlane v3, v0;
	_ =	sdelay $0x1  }
0x5d: {  	v4 =	vadd.s32 v1, v4;
	_ =	sdelay $0x4  }
0x5e: {  	[tilespmem:s11], [sflag:$0x2] =	stream.indirect_vreg.gather [hbm4b:s2+s3], $0x80, v4, vm0, $0xb8;
	[tilespmem:$0x1B400] =	vst v63  }
0x5f: {  	s11 =	simm.s32 $0x9C00  }
0x60: {  	[tilespmem:s11], [sflag:$0x2] =	stream.indirect_vreg.gather [hbm4b:s5+s3], $0x80, v4, vm0, $0xb8;
	[tilespmem:$0x1B400] =	vst v63  }
0x61: {  	v3 =	vperm.xlane v3, v2;
	s11 =	simm.s32 $0xA400  }
0x62: {  	[tilespmem:s11], [sflag:$0x2] =	stream.indirect_vreg.gather [hbm4b:s6+s3], $0x80, v4, vm0, $0xb8;
	[tilespmem:$0x1B400] =	vst v63  }
0x63: {  	v3 =	vadd.s32 v1, v3;
	s11 =	simm.s32 $0xAC00  }
0x64: {  	[tilespmem:s11], [sflag:$0x2] =	stream.indirect_vreg.gather [hbm4b:s7+s3], $0x80, v4, vm0, $0xb8;
	[tilespmem:$0x1B400] =	vst v63  }
0x65: {  	s11 =	simm.s32 $0xB400  }
0x66: {  	[tilespmem:s11], [sflag:$0x2] =	stream.indirect_vreg.gather [hbm4b:s8+s3], $0x80, v4, vm1, $0xb8;
	[tilespmem:$0x1B400] =	vst v63  }
0x67: {  	s11 =	simm.s32 $0xB800  }
0x68: {  	[tilespmem:s11], [sflag:$0x2] =	stream.indirect_vreg.gather [hbm4b:s2+s3], $0x80, v3, vm0, $0xb8;
	[tilespmem:$0x1B400] =	vst v63  }
0x69: {  	s11 =	simm.s32 $0xC000  }
0x6a: {  	[tilespmem:s11], [sflag:$0x2] =	stream.indirect_vreg.gather [hbm4b:s5+s3], $0x80, v3, vm0, $0xb8;
	[tilespmem:$0x1B400] =	vst v63  }
0x6b: {  	s11 =	simm.s32 $0xC800  }
0x6c: {  	[tilespmem:s11], [sflag:$0x2] =	stream.indirect_vreg.gather [hbm4b:s6+s3], $0x80, v3, vm0, $0xb8;
	[tilespmem:$0x1B400] =	vst v63  }
0x6d: {  	s11 =	simm.s32 $0xD000  }
0x6e: {  	[tilespmem:s11], [sflag:$0x2] =	stream.indirect_vreg.gather [hbm4b:s7+s3], $0x80, v3, vm0, $0xb8;
	[tilespmem:$0x1B400] =	vst v63  }
0x6f: {  	s11 =	simm.s32 $0xD800  }
0x70: {  	[tilespmem:s11], [sflag:$0x2] =	stream.indirect_vreg.gather [hbm4b:s8+s3], $0x80, v3, vm1, $0xb8;
	[tilespmem:$0x1B400] =	vst v63  }
0x71: {  	v3 =	vld [tilespmem:$0x30];
	_ =	sdelay $0x4  }
0x72: {  	v61 =	vshrl.u32 v3, $0x3  }
0x73: {  	v4 =	vmul.u32 $0x48, v61  }
0x74: {  	v3 =	vand.u32 $0x7, v3  }
0x75: {  	v3 =	vor.u32 v3, v4  }
0x76: {  	v4 =	vperm.xlane v3, v0;
	_ =	sdelay $0x1  }
0x77: {  	v4 =	vadd.s32 v1, v4;
	_ =	sdelay $0x3  }
0x78: {  	s11 =	simm.s32 $0xDC00  }
0x79: {  	[tilespmem:s11], [sflag:$0x2] =	stream.indirect_vreg.gather [hbm4b:s2+s3], $0x80, v4, vm0, $0xb8;
	[tilespmem:$0x1B400] =	vst v63  }
0x7a: {  	s11 =	simm.s32 $0xE400  }
0x7b: {  	[tilespmem:s11], [sflag:$0x2] =	stream.indirect_vreg.gather [hbm4b:s5+s3], $0x80, v4, vm0, $0xb8;
	[tilespmem:$0x1B400] =	vst v63  }
0x7c: {  	v3 =	vperm.xlane v3, v2;
	s11 =	simm.s32 $0xEC00  }
0x7d: {  	[tilespmem:s11], [sflag:$0x2] =	stream.indirect_vreg.gather [hbm4b:s6+s3], $0x80, v4, vm0, $0xb8;
	[tilespmem:$0x1B400] =	vst v63  }
0x7e: {  	v3 =	vadd.s32 v1, v3;
	s11 =	simm.s32 $0xF400  }
0x7f: {  	[tilespmem:s11], [sflag:$0x2] =	stream.indirect_vreg.gather [hbm4b:s7+s3], $0x80, v4, vm0, $0xb8;
	[tilespmem:$0x1B400] =	vst v63  }
0x80: {  	s11 =	simm.s32 $0xFC00  }
0x81: {  	[tilespmem:s11], [sflag:$0x2] =	stream.indirect_vreg.gather [hbm4b:s8+s3], $0x80, v4, vm1, $0xb8;
	[tilespmem:$0x1B400] =	vst v63  }
0x82: {  	s11 =	simm.s32 $0x10000  }
0x83: {  	[tilespmem:s11], [sflag:$0x2] =	stream.indirect_vreg.gather [hbm4b:s2+s3], $0x80, v3, vm0, $0xb8;
	[tilespmem:$0x1B400] =	vst v63  }
0x84: {  	s11 =	simm.s32 $0x10800  }
0x85: {  	[tilespmem:s11], [sflag:$0x2] =	stream.indirect_vreg.gather [hbm4b:s5+s3], $0x80, v3, vm0, $0xb8;
	[tilespmem:$0x1B400] =	vst v63  }
0x86: {  	s11 =	simm.s32 $0x11000  }
0x87: {  	[tilespmem:s11], [sflag:$0x2] =	stream.indirect_vreg.gather [hbm4b:s6+s3], $0x80, v3, vm0, $0xb8;
	[tilespmem:$0x1B400] =	vst v63  }
0x88: {  	s11 =	simm.s32 $0x11800  }
0x89: {  	[tilespmem:s11], [sflag:$0x2] =	stream.indirect_vreg.gather [hbm4b:s7+s3], $0x80, v3, vm0, $0xb8;
	[tilespmem:$0x1B400] =	vst v63  }
0x8a: {  	s11 =	simm.s32 $0x12000  }
0x8b: {  	[tilespmem:s11], [sflag:$0x2] =	stream.indirect_vreg.gather [hbm4b:s8+s3], $0x80, v3, vm1, $0xb8;
	[tilespmem:$0x1B400] =	vst v63  }
0x8c: {  	v3 =	vld [tilespmem:$0x40];
	_ =	sdelay $0x4  }
0x8d: {  	v62 =	vshrl.u32 v3, $0x3  }
0x8e: {  	v4 =	vmul.u32 $0x48, v62  }
0x8f: {  	v3 =	vand.u32 $0x7, v3  }
0x90: {  	v3 =	vor.u32 v3, v4  }
0x91: {  	v4 =	vperm.xlane v3, v0;
	_ =	sdelay $0x1  }
0x92: {  	v4 =	vadd.s32 v1, v4;
	_ =	sdelay $0x4  }
0x93: {  	[tilespmem:s19], [sflag:$0x3] =	stream.indirect_vreg.gather [hbm4b:s2+s3], $0x80, v4, vm0, $0xb8;
	[tilespmem:$0x1B400] =	vst v63  }
0x94: {  	_ = 	snop  }
0x95: {  	[tilespmem:s29], [sflag:$0x3] =	stream.indirect_vreg.gather [hbm4b:s5+s3], $0x80, v4, vm0, $0xb8;
	[tilespmem:$0x1B400] =	vst v63  }
0x96: {  	v3 =	vperm.xlane v3, v2  }
0x97: {  	[tilespmem:s0], [sflag:$0x3] =	stream.indirect_vreg.gather [hbm4b:s6+s3], $0x80, v4, vm0, $0xb8;
	[tilespmem:$0x1B400] =	vst v63  }
0x98: {  	v3 =	vadd.s32 v1, v3  }
0x99: {  	[tilespmem:s28], [sflag:$0x3] =	stream.indirect_vreg.gather [hbm4b:s7+s3], $0x80, v4, vm0, $0xb8;
	[tilespmem:$0x1B400] =	vst v63  }
0x9a: {  	_ = 	snop  }
0x9b: {  	[tilespmem:s4], [sflag:$0x3] =	stream.indirect_vreg.gather [hbm4b:s8+s3], $0x80, v4, vm1, $0xb8;
	[tilespmem:$0x1B400] =	vst v63  }
0x9c: {  	_ = 	snop  }
0x9d: {  	[tilespmem:s30], [sflag:$0x3] =	stream.indirect_vreg.gather [hbm4b:s2+s3], $0x80, v3, vm0, $0xb8;
	[tilespmem:$0x1B400] =	vst v63  }
0x9e: {  	_ = 	snop  }
0x9f: {  	[tilespmem:s20], [sflag:$0x3] =	stream.indirect_vreg.gather [hbm4b:s5+s3], $0x80, v3, vm0, $0xb8;
	[tilespmem:$0x1B400] =	vst v63  }
0xa0: {  	_ = 	snop  }
0xa1: {  	[tilespmem:s1], [sflag:$0x3] =	stream.indirect_vreg.gather [hbm4b:s6+s3], $0x80, v3, vm0, $0xb8;
	[tilespmem:$0x1B400] =	vst v63  }
0xa2: {  	_ = 	snop  }
0xa3: {  	[tilespmem:s9], [sflag:$0x3] =	stream.indirect_vreg.gather [hbm4b:s7+s3], $0x80, v3, vm0, $0xb8;
	[tilespmem:$0x1B400] =	vst v63  }
0xa4: {  	_ = 	snop  }
0xa5: {  	[tilespmem:s21], [sflag:$0x3] =	stream.indirect_vreg.gather [hbm4b:s8+s3], $0x80, v3, vm1, $0xb8;
	[tilespmem:$0x1B400] =	vst v63  }
0xa6: {  	v3 =	vld [tilespmem:$0x50];
	_ =	sdelay $0x4  }
0xa7: {  	v63 =	vshrl.u32 v3, $0x3  }
0xa8: {  	v4 =	vmul.u32 $0x48, v63  }
0xa9: {  	v3 =	vand.u32 $0x7, v3  }
0xaa: {  	v3 =	vor.u32 v3, v4  }
0xab: {  	v4 =	vperm.xlane v3, v0;
	_ =	sdelay $0x1  }
0xac: {  	v4 =	vadd.s32 v1, v4;
	_ =	sdelay $0x4  }
0xad: {  	[tilespmem:s10], [sflag:$0x3] =	stream.indirect_vreg.gather [hbm4b:s2+s3], $0x80, v4, vm0, $0xb8;
	[tilespmem:$0x1B400] =	vst v63  }
0xae: {  	_ = 	snop  }
0xaf: {  	[tilespmem:s22], [sflag:$0x3] =	stream.indirect_vreg.gather [hbm4b:s5+s3], $0x80, v4, vm0, $0xb8;
	[tilespmem:$0x1B400] =	vst v63  }
0xb0: {  	v3 =	vperm.xlane v3, v2  }
0xb1: {  	[tilespmem:s12], [sflag:$0x3] =	stream.indirect_vreg.gather [hbm4b:s6+s3], $0x80, v4, vm0, $0xb8;
	[tilespmem:$0x1B400] =	vst v63  }
0xb2: {  	v3 =	vadd.s32 v1, v3  }
0xb3: {  	[tilespmem:s23], [sflag:$0x3] =	stream.indirect_vreg.gather [hbm4b:s7+s3], $0x80, v4, vm0, $0xb8;
	[tilespmem:$0x1B400] =	vst v63  }
0xb4: {  	_ = 	snop  }
0xb5: {  	[tilespmem:s13], [sflag:$0x3] =	stream.indirect_vreg.gather [hbm4b:s8+s3], $0x80, v4, vm1, $0xb8;
	[tilespmem:$0x1B400] =	vst v63  }
0xb6: {  	s31 =	simm.s32 $0x1B000  }
0xb7: {  	[tilespmem:s16], [sflag:$0x3] =	stream.indirect_vreg.gather [hbm4b:s2+s3], $0x80, v3, vm0, $0xb8;
	[tilespmem:$0x1B400] =	vst v63  }
0xb8: {  	s18 =	simm.s32 $0x0;
	s11 =	simm.s32 $0x19800;
	s0 =	simm.s32 $0x1A000  }
0xb9: {  	[tilespmem:s11], [sflag:$0x3] =	stream.indirect_vreg.gather [hbm4b:s5+s3], $0x80, v3, vm0, $0xb8;
	[tilespmem:$0x1B400] =	vst v63  }
0xba: {  	s28 =	simm.s32 $0xB0;
	s30 =	simm.s32 $0x1A800;
	s21 =	simm.s32 $0x16800  }
0xbb: {  	[tilespmem:s0], [sflag:$0x3] =	stream.indirect_vreg.gather [hbm4b:s6+s3], $0x80, v3, vm0, $0xb8;
	[tilespmem:$0x1B400] =	vst v63  }
0xbc: {  	s10 =	simm.s32 $0x16C00;
	s22 =	simm.s32 $0x17400;
	s12 =	simm.s32 $0x17C00  }
0xbd: {  	[tilespmem:s30], [sflag:$0x3] =	stream.indirect_vreg.gather [hbm4b:s7+s3], $0x80, v3, vm0, $0xb8;
	[tilespmem:$0x1B400] =	vst v63  }
0xbe: {  	s23 =	simm.s32 $0x18400;
	s13 =	simm.s32 $0x18C00;
	s16 =	simm.s32 $0x19000  }
0xbf: {  	[tilespmem:s31], [sflag:$0x3] =	stream.indirect_vreg.gather [hbm4b:s8+s3], $0x80, v3, vm1, $0xb8;
	[tilespmem:$0x1B400] =	vst v63  }
.LBB2_2:
0xc0: {  	_ =	swait.ge [sflag:s24], $0x9000  }
0xc1: {  	s29 =	rddreg [dreg:$0x4];
	[sflag:s24] =	ssyncset.done $0x0  }
0xc2: {  	s4 =	simm.s32 $0x400;
	[sflag:s24] =	ssyncadd.s32 $0xFFFF7000;
	s29 =	sadd.s32 s18, s29  }
0xc3: {  	[hbm4b:s29+s3] =	stream.linear.scatter [tilespmem:s4], [sflag:$0x4], $0x9000, $0x38;
	[tilespmem:$0x1B400] =	vst v63  }
0xc4: {  	_ =	swait.ge [sflag:s14], $0x9000  }
0xc5: {  	s29 =	rddreg [dreg:$0x5];
	[sflag:s14] =	ssyncset.done $0x0  }
0xc6: {  	s9 =	simm.s32 $0x9400;
	[sflag:s14] =	ssyncadd.s32 $0xFFFF7000;
	s29 =	sadd.s32 s18, s29  }
0xc7: {  	[hbm4b:s29+s3] =	stream.linear.scatter [tilespmem:s9], [sflag:$0x5], $0x9000, $0x38;
	[tilespmem:$0x1B400] =	vst v63  }
0xc8: {  	_ =	swait.ge [sflag:s25], $0x9000  }
0xc9: {  	s29 =	rddreg [dreg:$0x6];
	[sflag:s25] =	ssyncset.done $0x0  }
0xca: {  	s1 =	simm.s32 $0x12400;
	[sflag:s25] =	ssyncadd.s32 $0xFFFF7000;
	s29 =	sadd.s32 s18, s29  }
0xcb: {  	[hbm4b:s29+s3] =	stream.linear.scatter [tilespmem:s1], [sflag:$0x6], $0x9000, $0x38;
	[tilespmem:$0x1B400] =	vst v63  }
0xcc: {  	_ =	swait.ge [sflag:s15], $0x9000  }
0xcd: {  	[sflag:s15] =	ssyncset.done $0x0  }
0xce: {  	[sflag:s15] =	ssyncadd.s32 $0xFFFF7000  }
0xcf: {  	v3 =	vld [tilespmem:s28+$0xFFFFFFB0];
	_ =	sdelay $0x4  }
0xd0: {  	v4 =	vshrl.u32 v3, $0x3  }
0xd1: {  	v4 =	vmul.u32 $0x48, v4  }
0xd2: {  	v3 =	vand.u32 $0x7, v3  }
0xd3: {  	v3 =	vor.u32 v3, v4  }
0xd4: {  	v4 =	vperm.xlane v3, v0;
	_ =	sdelay $0x1  }
0xd5: {  	v4 =	vadd.s32 v1, v4;
	_ =	sdelay $0x4  }
0xd6: {  	[tilespmem:s4], [sflag:$0x1] =	stream.indirect_vreg.gather [hbm4b:s2+s3], $0x80, v4, vm0, $0xb8;
	[tilespmem:$0x1B400] =	vst v63  }
0xd7: {  	s29 =	simm.s32 $0xC00  }
0xd8: {  	[tilespmem:s29], [sflag:$0x1] =	stream.indirect_vreg.gather [hbm4b:s5+s3], $0x80, v4, vm0, $0xb8;
	[tilespmem:$0x1B400] =	vst v63  }
0xd9: {  	v3 =	vperm.xlane v3, v2;
	s29 =	simm.s32 $0x1400  }
0xda: {  	[tilespmem:s29], [sflag:$0x1] =	stream.indirect_vreg.gather [hbm4b:s6+s3], $0x80, v4, vm0, $0xb8;
	[tilespmem:$0x1B400] =	vst v63  }
0xdb: {  	v3 =	vadd.s32 v1, v3;
	s29 =	simm.s32 $0x1C00  }
0xdc: {  	[tilespmem:s29], [sflag:$0x1] =	stream.indirect_vreg.gather [hbm4b:s7+s3], $0x80, v4, vm0, $0xb8;
	[tilespmem:$0x1B400] =	vst v63  }
0xdd: {  	s29 =	simm.s32 $0x2400  }
0xde: {  	[tilespmem:s29], [sflag:$0x1] =	stream.indirect_vreg.gather [hbm4b:s8+s3], $0x80, v4, vm1, $0xb8;
	[tilespmem:$0x1B400] =	vst v63  }
0xdf: {  	s29 =	simm.s32 $0x2800  }
0xe0: {  	[tilespmem:s29], [sflag:$0x1] =	stream.indirect_vreg.gather [hbm4b:s2+s3], $0x80, v3, vm0, $0xb8;
	[tilespmem:$0x1B400] =	vst v63  }
0xe1: {  	s29 =	simm.s32 $0x3000  }
0xe2: {  	[tilespmem:s29], [sflag:$0x1] =	stream.indirect_vreg.gather [hbm4b:s5+s3], $0x80, v3, vm0, $0xb8;
	[tilespmem:$0x1B400] =	vst v63  }
0xe3: {  	s29 =	simm.s32 $0x3800  }
0xe4: {  	[tilespmem:s29], [sflag:$0x1] =	stream.indirect_vreg.gather [hbm4b:s6+s3], $0x80, v3, vm0, $0xb8;
	[tilespmem:$0x1B400] =	vst v63  }
0xe5: {  	s29 =	simm.s32 $0x4000  }
0xe6: {  	[tilespmem:s29], [sflag:$0x1] =	stream.indirect_vreg.gather [hbm4b:s7+s3], $0x80, v3, vm0, $0xb8;
	[tilespmem:$0x1B400] =	vst v63  }
0xe7: {  	s29 =	simm.s32 $0x4800  }
0xe8: {  	[tilespmem:s29], [sflag:$0x1] =	stream.indirect_vreg.gather [hbm4b:s8+s3], $0x80, v3, vm1, $0xb8;
	[tilespmem:$0x1B400] =	vst v63  }
0xe9: {  	v3 =	vld [tilespmem:s28+$0xFFFFFFC0];
	_ =	sdelay $0x4  }
0xea: {  	v59 =	vshrl.u32 v3, $0x3  }
0xeb: {  	v4 =	vmul.u32 $0x48, v59  }
0xec: {  	v3 =	vand.u32 $0x7, v3  }
0xed: {  	v3 =	vor.u32 v3, v4  }
0xee: {  	v4 =	vperm.xlane v3, v0;
	_ =	sdelay $0x1  }
0xef: {  	v4 =	vadd.s32 v1, v4;
	_ =	sdelay $0x3  }
0xf0: {  	s29 =	simm.s32 $0x4C00  }
0xf1: {  	[tilespmem:s29], [sflag:$0x1] =	stream.indirect_vreg.gather [hbm4b:s2+s3], $0x80, v4, vm0, $0xb8;
	[tilespmem:$0x1B400] =	vst v63  }
0xf2: {  	s29 =	simm.s32 $0x5400  }
0xf3: {  	[tilespmem:s29], [sflag:$0x1] =	stream.indirect_vreg.gather [hbm4b:s5+s3], $0x80, v4, vm0, $0xb8;
	[tilespmem:$0x1B400] =	vst v63  }
0xf4: {  	v3 =	vperm.xlane v3, v2;
	s29 =	simm.s32 $0x5C00  }
0xf5: {  	[tilespmem:s29], [sflag:$0x1] =	stream.indirect_vreg.gather [hbm4b:s6+s3], $0x80, v4, vm0, $0xb8;
	[tilespmem:$0x1B400] =	vst v63  }
0xf6: {  	v3 =	vadd.s32 v1, v3;
	s29 =	simm.s32 $0x6400  }
0xf7: {  	[tilespmem:s29], [sflag:$0x1] =	stream.indirect_vreg.gather [hbm4b:s7+s3], $0x80, v4, vm0, $0xb8;
	[tilespmem:$0x1B400] =	vst v63  }
0xf8: {  	s29 =	simm.s32 $0x6C00  }
0xf9: {  	[tilespmem:s29], [sflag:$0x1] =	stream.indirect_vreg.gather [hbm4b:s8+s3], $0x80, v4, vm1, $0xb8;
	[tilespmem:$0x1B400] =	vst v63  }
0xfa: {  	s29 =	simm.s32 $0x7000  }
0xfb: {  	[tilespmem:s29], [sflag:$0x1] =	stream.indirect_vreg.gather [hbm4b:s2+s3], $0x80, v3, vm0, $0xb8;
	[tilespmem:$0x1B400] =	vst v63  }
0xfc: {  	s29 =	simm.s32 $0x7800  }
0xfd: {  	[tilespmem:s29], [sflag:$0x1] =	stream.indirect_vreg.gather [hbm4b:s5+s3], $0x80, v3, vm0, $0xb8;
	[tilespmem:$0x1B400] =	vst v63  }
0xfe: {  	s29 =	simm.s32 $0x8000  }
0xff: {  	[tilespmem:s29], [sflag:$0x1] =	stream.indirect_vreg.gather [hbm4b:s6+s3], $0x80, v3, vm0, $0xb8;
	[tilespmem:$0x1B400] =	vst v63  }
0x100: {  	s29 =	simm.s32 $0x8800  }
0x101: {  	[tilespmem:s29], [sflag:$0x1] =	stream.indirect_vreg.gather [hbm4b:s7+s3], $0x80, v3, vm0, $0xb8;
	[tilespmem:$0x1B400] =	vst v63  }
0x102: {  	s29 =	simm.s32 $0x9000  }
0x103: {  	[tilespmem:s29], [sflag:$0x1] =	stream.indirect_vreg.gather [hbm4b:s8+s3], $0x80, v3, vm1, $0xb8;
	[tilespmem:$0x1B400] =	vst v63  }
0x104: {  	_ =	swait.ge [sflag:s26], $0x9000  }
0x105: {  	[sflag:s26] =	ssyncset.done $0x0  }
0x106: {  	[sflag:s26] =	ssyncadd.s32 $0xFFFF7000  }
0x107: {  	v3 =	vld [tilespmem:s28+$0xFFFFFFD0];
	_ =	sdelay $0x4  }
0x108: {  	v60 =	vshrl.u32 v3, $0x3  }
0x109: {  	v4 =	vmul.u32 $0x48, v60  }
0x10a: {  	v3 =	vand.u32 $0x7, v3  }
0x10b: {  	v3 =	vor.u32 v3, v4  }
0x10c: {  	v4 =	vperm.xlane v3, v0;
	_ =	sdelay $0x1  }
0x10d: {  	v4 =	vadd.s32 v1, v4;
	_ =	sdelay $0x4  }
0x10e: {  	[tilespmem:s9], [sflag:$0x2] =	stream.indirect_vreg.gather [hbm4b:s2+s3], $0x80, v4, vm0, $0xb8;
	[tilespmem:$0x1B400] =	vst v63  }
0x10f: {  	s29 =	simm.s32 $0x9C00  }
0x110: {  	[tilespmem:s29], [sflag:$0x2] =	stream.indirect_vreg.gather [hbm4b:s5+s3], $0x80, v4, vm0, $0xb8;
	[tilespmem:$0x1B400] =	vst v63  }
0x111: {  	v3 =	vperm.xlane v3, v2;
	s29 =	simm.s32 $0xA400  }
0x112: {  	[tilespmem:s29], [sflag:$0x2] =	stream.indirect_vreg.gather [hbm4b:s6+s3], $0x80, v4, vm0, $0xb8;
	[tilespmem:$0x1B400] =	vst v63  }
0x113: {  	v3 =	vadd.s32 v1, v3;
	s29 =	simm.s32 $0xAC00  }
0x114: {  	[tilespmem:s29], [sflag:$0x2] =	stream.indirect_vreg.gather [hbm4b:s7+s3], $0x80, v4, vm0, $0xb8;
	[tilespmem:$0x1B400] =	vst v63  }
0x115: {  	s29 =	simm.s32 $0xB400  }
0x116: {  	[tilespmem:s29], [sflag:$0x2] =	stream.indirect_vreg.gather [hbm4b:s8+s3], $0x80, v4, vm1, $0xb8;
	[tilespmem:$0x1B400] =	vst v63  }
0x117: {  	s29 =	simm.s32 $0xB800  }
0x118: {  	[tilespmem:s29], [sflag:$0x2] =	stream.indirect_vreg.gather [hbm4b:s2+s3], $0x80, v3, vm0, $0xb8;
	[tilespmem:$0x1B400] =	vst v63  }
0x119: {  	s29 =	simm.s32 $0xC000  }
0x11a: {  	[tilespmem:s29], [sflag:$0x2] =	stream.indirect_vreg.gather [hbm4b:s5+s3], $0x80, v3, vm0, $0xb8;
	[tilespmem:$0x1B400] =	vst v63  }
0x11b: {  	s29 =	simm.s32 $0xC800  }
0x11c: {  	[tilespmem:s29], [sflag:$0x2] =	stream.indirect_vreg.gather [hbm4b:s6+s3], $0x80, v3, vm0, $0xb8;
	[tilespmem:$0x1B400] =	vst v63  }
0x11d: {  	s29 =	simm.s32 $0xD000  }
0x11e: {  	[tilespmem:s29], [sflag:$0x2] =	stream.indirect_vreg.gather [hbm4b:s7+s3], $0x80, v3, vm0, $0xb8;
	[tilespmem:$0x1B400] =	vst v63  }
0x11f: {  	s29 =	simm.s32 $0xD800  }
0x120: {  	[tilespmem:s29], [sflag:$0x2] =	stream.indirect_vreg.gather [hbm4b:s8+s3], $0x80, v3, vm1, $0xb8;
	[tilespmem:$0x1B400] =	vst v63  }
0x121: {  	v3 =	vld [tilespmem:s28+$0xFFFFFFE0];
	_ =	sdelay $0x4  }
0x122: {  	v61 =	vshrl.u32 v3, $0x3  }
0x123: {  	v4 =	vmul.u32 $0x48, v61  }
0x124: {  	v3 =	vand.u32 $0x7, v3  }
0x125: {  	v3 =	vor.u32 v3, v4  }
0x126: {  	v4 =	vperm.xlane v3, v0;
	_ =	sdelay $0x1  }
0x127: {  	v4 =	vadd.s32 v1, v4;
	_ =	sdelay $0x3  }
0x128: {  	s29 =	simm.s32 $0xDC00  }
0x129: {  	[tilespmem:s29], [sflag:$0x2] =	stream.indirect_vreg.gather [hbm4b:s2+s3], $0x80, v4, vm0, $0xb8;
	[tilespmem:$0x1B400] =	vst v63  }
0x12a: {  	s29 =	simm.s32 $0xE400  }
0x12b: {  	[tilespmem:s29], [sflag:$0x2] =	stream.indirect_vreg.gather [hbm4b:s5+s3], $0x80, v4, vm0, $0xb8;
	[tilespmem:$0x1B400] =	vst v63  }
0x12c: {  	v3 =	vperm.xlane v3, v2;
	s29 =	simm.s32 $0xEC00  }
0x12d: {  	[tilespmem:s29], [sflag:$0x2] =	stream.indirect_vreg.gather [hbm4b:s6+s3], $0x80, v4, vm0, $0xb8;
	[tilespmem:$0x1B400] =	vst v63  }
0x12e: {  	v3 =	vadd.s32 v1, v3;
	s29 =	simm.s32 $0xF400  }
0x12f: {  	[tilespmem:s29], [sflag:$0x2] =	stream.indirect_vreg.gather [hbm4b:s7+s3], $0x80, v4, vm0, $0xb8;
	[tilespmem:$0x1B400] =	vst v63  }
0x130: {  	s29 =	simm.s32 $0xFC00  }
0x131: {  	[tilespmem:s29], [sflag:$0x2] =	stream.indirect_vreg.gather [hbm4b:s8+s3], $0x80, v4, vm1, $0xb8;
	[tilespmem:$0x1B400] =	vst v63  }
0x132: {  	s29 =	simm.s32 $0x10000  }
0x133: {  	[tilespmem:s29], [sflag:$0x2] =	stream.indirect_vreg.gather [hbm4b:s2+s3], $0x80, v3, vm0, $0xb8;
	[tilespmem:$0x1B400] =	vst v63  }
0x134: {  	s29 =	simm.s32 $0x10800  }
0x135: {  	[tilespmem:s29], [sflag:$0x2] =	stream.indirect_vreg.gather [hbm4b:s5+s3], $0x80, v3, vm0, $0xb8;
	[tilespmem:$0x1B400] =	vst v63  }
0x136: {  	s9 =	simm.s32 $0x11000  }
0x137: {  	[tilespmem:s9], [sflag:$0x2] =	stream.indirect_vreg.gather [hbm4b:s6+s3], $0x80, v3, vm0, $0xb8;
	[tilespmem:$0x1B400] =	vst v63  }
0x138: {  	s20 =	simm.s32 $0x11800  }
0x139: {  	[tilespmem:s20], [sflag:$0x2] =	stream.indirect_vreg.gather [hbm4b:s7+s3], $0x80, v3, vm0, $0xb8;
	[tilespmem:$0x1B400] =	vst v63  }
0x13a: {  	s19 =	simm.s32 $0x12000  }
0x13b: {  	[tilespmem:s19], [sflag:$0x2] =	stream.indirect_vreg.gather [hbm4b:s8+s3], $0x80, v3, vm1, $0xb8;
	[tilespmem:$0x1B400] =	vst v63  }
0x13c: {  	_ =	swait.ge [sflag:s17], $0x9000  }
0x13d: {  	[sflag:s17] =	ssyncset.done $0x0  }
0x13e: {  	[sflag:s17] =	ssyncadd.s32 $0xFFFF7000  }
0x13f: {  	v3 =	vld [tilespmem:s28+$0xFFFFFFF0];
	_ =	sdelay $0x4  }
0x140: {  	v62 =	vshrl.u32 v3, $0x3  }
0x141: {  	v4 =	vmul.u32 $0x48, v62  }
0x142: {  	v3 =	vand.u32 $0x7, v3  }
0x143: {  	v3 =	vor.u32 v3, v4  }
0x144: {  	v4 =	vperm.xlane v3, v0;
	_ =	sdelay $0x1  }
0x145: {  	v4 =	vadd.s32 v1, v4;
	_ =	sdelay $0x4  }
0x146: {  	[tilespmem:s1], [sflag:$0x3] =	stream.indirect_vreg.gather [hbm4b:s2+s3], $0x80, v4, vm0, $0xb8;
	[tilespmem:$0x1B400] =	vst v63  }
0x147: {  	s29 =	simm.s32 $0x12C00  }
0x148: {  	[tilespmem:s29], [sflag:$0x3] =	stream.indirect_vreg.gather [hbm4b:s5+s3], $0x80, v4, vm0, $0xb8;
	[tilespmem:$0x1B400] =	vst v63  }
0x149: {  	v3 =	vperm.xlane v3, v2;
	s1 =	simm.s32 $0x13400  }
0x14a: {  	[tilespmem:s1], [sflag:$0x3] =	stream.indirect_vreg.gather [hbm4b:s6+s3], $0x80, v4, vm0, $0xb8;
	[tilespmem:$0x1B400] =	vst v63  }
0x14b: {  	v3 =	vadd.s32 v1, v3;
	s1 =	simm.s32 $0x13C00  }
0x14c: {  	[tilespmem:s1], [sflag:$0x3] =	stream.indirect_vreg.gather [hbm4b:s7+s3], $0x80, v4, vm0, $0xb8;
	[tilespmem:$0x1B400] =	vst v63  }
0x14d: {  	s4 =	simm.s32 $0x14400  }
0x14e: {  	[tilespmem:s4], [sflag:$0x3] =	stream.indirect_vreg.gather [hbm4b:s8+s3], $0x80, v4, vm1, $0xb8;
	[tilespmem:$0x1B400] =	vst v63  }
0x14f: {  	s1 =	simm.s32 $0x14800  }
0x150: {  	[tilespmem:s1], [sflag:$0x3] =	stream.indirect_vreg.gather [hbm4b:s2+s3], $0x80, v3, vm0, $0xb8;
	[tilespmem:$0x1B400] =	vst v63  }
0x151: {  	s20 =	simm.s32 $0x15000  }
0x152: {  	[tilespmem:s20], [sflag:$0x3] =	stream.indirect_vreg.gather [hbm4b:s5+s3], $0x80, v3, vm0, $0xb8;
	[tilespmem:$0x1B400] =	vst v63  }
0x153: {  	s1 =	simm.s32 $0x15800  }
0x154: {  	[tilespmem:s1], [sflag:$0x3] =	stream.indirect_vreg.gather [hbm4b:s6+s3], $0x80, v3, vm0, $0xb8;
	[tilespmem:$0x1B400] =	vst v63  }
0x155: {  	s9 =	simm.s32 $0x16000  }
0x156: {  	[tilespmem:s9], [sflag:$0x3] =	stream.indirect_vreg.gather [hbm4b:s7+s3], $0x80, v3, vm0, $0xb8;
	[tilespmem:$0x1B400] =	vst v63  }
0x157: {  	_ = 	snop  }
0x158: {  	[tilespmem:s21], [sflag:$0x3] =	stream.indirect_vreg.gather [hbm4b:s8+s3], $0x80, v3, vm1, $0xb8;
	[tilespmem:$0x1B400] =	vst v63  }
0x159: {  	v3 =	vld [tilespmem:s28+$0x0];
	_ =	sdelay $0x4  }
0x15a: {  	v63 =	vshrl.u32 v3, $0x3  }
0x15b: {  	v4 =	vmul.u32 $0x48, v63  }
0x15c: {  	v3 =	vand.u32 $0x7, v3  }
0x15d: {  	v3 =	vor.u32 v3, v4  }
0x15e: {  	v4 =	vperm.xlane v3, v0;
	_ =	sdelay $0x1  }
0x15f: {  	v4 =	vadd.s32 v1, v4;
	_ =	sdelay $0x4  }
0x160: {  	[tilespmem:s10], [sflag:$0x3] =	stream.indirect_vreg.gather [hbm4b:s2+s3], $0x80, v4, vm0, $0xb8;
	[tilespmem:$0x1B400] =	vst v63  }
0x161: {  	_ = 	snop  }
0x162: {  	[tilespmem:s22], [sflag:$0x3] =	stream.indirect_vreg.gather [hbm4b:s5+s3], $0x80, v4, vm0, $0xb8;
	[tilespmem:$0x1B400] =	vst v63  }
0x163: {  	v3 =	vperm.xlane v3, v2  }
0x164: {  	[tilespmem:s12], [sflag:$0x3] =	stream.indirect_vreg.gather [hbm4b:s6+s3], $0x80, v4, vm0, $0xb8;
	[tilespmem:$0x1B400] =	vst v63  }
0x165: {  	v3 =	vadd.s32 v1, v3  }
0x166: {  	[tilespmem:s23], [sflag:$0x3] =	stream.indirect_vreg.gather [hbm4b:s7+s3], $0x80, v4, vm0, $0xb8;
	[tilespmem:$0x1B400] =	vst v63  }
0x167: {  	_ = 	snop  }
0x168: {  	[tilespmem:s13], [sflag:$0x3] =	stream.indirect_vreg.gather [hbm4b:s8+s3], $0x80, v4, vm1, $0xb8;
	[tilespmem:$0x1B400] =	vst v63  }
0x169: {  	_ = 	snop  }
0x16a: {  	[tilespmem:s16], [sflag:$0x3] =	stream.indirect_vreg.gather [hbm4b:s2+s3], $0x80, v3, vm0, $0xb8;
	[tilespmem:$0x1B400] =	vst v63  }
0x16b: {  	_ = 	snop  }
0x16c: {  	[tilespmem:s11], [sflag:$0x3] =	stream.indirect_vreg.gather [hbm4b:s5+s3], $0x80, v3, vm0, $0xb8;
	[tilespmem:$0x1B400] =	vst v63  }
0x16d: {  	p0 =	sne.s32 s18, $0x1B000  }
0x16e: {  	[tilespmem:s0], [sflag:$0x3] =	stream.indirect_vreg.gather [hbm4b:s6+s3], $0x80, v3, vm0, $0xb8;
	[tilespmem:$0x1B400] =	vst v63  }
.Ltmp0:
0x16f: {  	_ = 	snop;
	(pc) =	sbr.rel @p0 .LBB2_2-.Ltmp0, $4  }
0x170: {  	_ = 	snop  }
0x171: {  	[tilespmem:s30], [sflag:$0x3] =	stream.indirect_vreg.gather [hbm4b:s7+s3], $0x80, v3, vm0, $0xb8;
	[tilespmem:$0x1B400] =	vst v63  }
0x172: {  	s18 =	sadd.s32 $0x3600, s18;
	s19 =	simm.s32 $0x12400;
	s28 =	sadd.s32 $0x60, s28  }
0x173: {  	[tilespmem:s31], [sflag:$0x3] =	stream.indirect_vreg.gather [hbm4b:s8+s3], $0x80, v3, vm1, $0xb8;
	[tilespmem:$0x1B400] =	vst v63  }
0x174: {  	_ =	swait.ge [sflag:s24], $0x9000  }
0x175: {  	[sflag:s24] =	ssyncset.done $0x0  }
0x176: {  	s10 =	simm.s32 $0x400;
	s18 =	rddreg [dreg:$0x8];
	[sflag:s24] =	ssyncadd.s32 $0xFFFF7000  }
0x177: {  	[hbm4b:s18+s3] =	stream.linear.scatter [tilespmem:s10], [sflag:$0x4], $0x9000, $0x38;
	[tilespmem:$0x1B400] =	vst v63  }
0x178: {  	_ =	swait.ge [sflag:s14], $0x9000  }
0x179: {  	[sflag:s14] =	ssyncset.done $0x0  }
0x17a: {  	s12 =	simm.s32 $0x9400;
	s22 =	rddreg [dreg:$0x9];
	[sflag:s14] =	ssyncadd.s32 $0xFFFF7000  }
0x17b: {  	[hbm4b:s22+s3] =	stream.linear.scatter [tilespmem:s12], [sflag:$0x5], $0x9000, $0x38;
	[tilespmem:$0x1B400] =	vst v63  }
0x17c: {  	_ =	swait.ge [sflag:s25], $0x9000  }
0x17d: {  	[sflag:s25] =	ssyncset.done $0x0  }
0x17e: {  	s23 =	rddreg [dreg:$0xa];
	[sflag:s25] =	ssyncadd.s32 $0xFFFF7000  }
0x17f: {  	[hbm4b:s23+s3] =	stream.linear.scatter [tilespmem:s19], [sflag:$0x6], $0x9000, $0x38;
	[tilespmem:$0x1B400] =	vst v63  }
0x180: {  	_ =	swait.ge [sflag:s15], $0x9000  }
0x181: {  	[sflag:s15] =	ssyncset.done $0x0  }
0x182: {  	[sflag:s15] =	ssyncadd.s32 $0xFFFF7000  }
0x183: {  	v3 =	vld [tilespmem:$0x3C0];
	_ =	sdelay $0x4  }
0x184: {  	v4 =	vshrl.u32 v3, $0x3  }
0x185: {  	v4 =	vmul.u32 $0x48, v4  }
0x186: {  	v3 =	vand.u32 $0x7, v3  }
0x187: {  	v3 =	vor.u32 v3, v4  }
0x188: {  	v4 =	vperm.xlane v3, v0;
	_ =	sdelay $0x1  }
0x189: {  	v4 =	vadd.s32 v1, v4;
	_ =	sdelay $0x4  }
0x18a: {  	[tilespmem:s10], [sflag:$0x1] =	stream.indirect_vreg.gather [hbm4b:s2+s3], $0x80, v4, vm0, $0xb8;
	[tilespmem:$0x1B400] =	vst v63  }
0x18b: {  	s0 =	simm.s32 $0xC00  }
0x18c: {  	[tilespmem:s0], [sflag:$0x1] =	stream.indirect_vreg.gather [hbm4b:s5+s3], $0x80, v4, vm0, $0xb8;
	[tilespmem:$0x1B400] =	vst v63  }
0x18d: {  	s1 =	simm.s32 $0x1400;
	v3 =	vperm.xlane v3, v2  }
0x18e: {  	[tilespmem:s1], [sflag:$0x1] =	stream.indirect_vreg.gather [hbm4b:s6+s3], $0x80, v4, vm0, $0xb8;
	[tilespmem:$0x1B400] =	vst v63  }
0x18f: {  	s11 =	simm.s32 $0x1C00;
	v3 =	vadd.s32 v1, v3  }
0x190: {  	[tilespmem:s11], [sflag:$0x1] =	stream.indirect_vreg.gather [hbm4b:s7+s3], $0x80, v4, vm0, $0xb8;
	[tilespmem:$0x1B400] =	vst v63  }
0x191: {  	s13 =	simm.s32 $0x2400  }
0x192: {  	[tilespmem:s13], [sflag:$0x1] =	stream.indirect_vreg.gather [hbm4b:s8+s3], $0x80, v4, vm1, $0xb8;
	[tilespmem:$0x1B400] =	vst v63  }
0x193: {  	s16 =	simm.s32 $0x2800  }
0x194: {  	[tilespmem:s16], [sflag:$0x1] =	stream.indirect_vreg.gather [hbm4b:s2+s3], $0x80, v3, vm0, $0xb8;
	[tilespmem:$0x1B400] =	vst v63  }
0x195: {  	s21 =	simm.s32 $0x3000  }
0x196: {  	[tilespmem:s21], [sflag:$0x1] =	stream.indirect_vreg.gather [hbm4b:s5+s3], $0x80, v3, vm0, $0xb8;
	[tilespmem:$0x1B400] =	vst v63  }
0x197: {  	s22 =	simm.s32 $0x3800  }
0x198: {  	[tilespmem:s22], [sflag:$0x1] =	stream.indirect_vreg.gather [hbm4b:s6+s3], $0x80, v3, vm0, $0xb8;
	[tilespmem:$0x1B400] =	vst v63  }
0x199: {  	s23 =	simm.s32 $0x4000  }
0x19a: {  	[tilespmem:s23], [sflag:$0x1] =	stream.indirect_vreg.gather [hbm4b:s7+s3], $0x80, v3, vm0, $0xb8;
	[tilespmem:$0x1B400] =	vst v63  }
0x19b: {  	s0 =	simm.s32 $0x4800  }
0x19c: {  	[tilespmem:s0], [sflag:$0x1] =	stream.indirect_vreg.gather [hbm4b:s8+s3], $0x80, v3, vm1, $0xb8;
	[tilespmem:$0x1B400] =	vst v63  }
0x19d: {  	v3 =	vld [tilespmem:$0x3D0];
	_ =	sdelay $0x4  }
0x19e: {  	v61 =	vshrl.u32 v3, $0x3  }
0x19f: {  	v4 =	vmul.u32 $0x48, v61  }
0x1a0: {  	v3 =	vand.u32 $0x7, v3  }
0x1a1: {  	v3 =	vor.u32 v3, v4  }
0x1a2: {  	v4 =	vperm.xlane v3, v0;
	_ =	sdelay $0x1  }
0x1a3: {  	v4 =	vadd.s32 v1, v4;
	_ =	sdelay $0x3  }
0x1a4: {  	s1 =	simm.s32 $0x4C00  }
0x1a5: {  	[tilespmem:s1], [sflag:$0x1] =	stream.indirect_vreg.gather [hbm4b:s2+s3], $0x80, v4, vm0, $0xb8;
	[tilespmem:$0x1B400] =	vst v63  }
0x1a6: {  	s11 =	simm.s32 $0x5400  }
0x1a7: {  	[tilespmem:s11], [sflag:$0x1] =	stream.indirect_vreg.gather [hbm4b:s5+s3], $0x80, v4, vm0, $0xb8;
	[tilespmem:$0x1B400] =	vst v63  }
0x1a8: {  	s13 =	simm.s32 $0x5C00;
	v3 =	vperm.xlane v3, v2  }
0x1a9: {  	[tilespmem:s13], [sflag:$0x1] =	stream.indirect_vreg.gather [hbm4b:s6+s3], $0x80, v4, vm0, $0xb8;
	[tilespmem:$0x1B400] =	vst v63  }
0x1aa: {  	s16 =	simm.s32 $0x6400;
	v3 =	vadd.s32 v1, v3  }
0x1ab: {  	[tilespmem:s16], [sflag:$0x1] =	stream.indirect_vreg.gather [hbm4b:s7+s3], $0x80, v4, vm0, $0xb8;
	[tilespmem:$0x1B400] =	vst v63  }
0x1ac: {  	s21 =	simm.s32 $0x6C00  }
0x1ad: {  	[tilespmem:s21], [sflag:$0x1] =	stream.indirect_vreg.gather [hbm4b:s8+s3], $0x80, v4, vm1, $0xb8;
	[tilespmem:$0x1B400] =	vst v63  }
0x1ae: {  	s22 =	simm.s32 $0x7000  }
0x1af: {  	[tilespmem:s22], [sflag:$0x1] =	stream.indirect_vreg.gather [hbm4b:s2+s3], $0x80, v3, vm0, $0xb8;
	[tilespmem:$0x1B400] =	vst v63  }
0x1b0: {  	s23 =	simm.s32 $0x7800  }
0x1b1: {  	[tilespmem:s23], [sflag:$0x1] =	stream.indirect_vreg.gather [hbm4b:s5+s3], $0x80, v3, vm0, $0xb8;
	[tilespmem:$0x1B400] =	vst v63  }
0x1b2: {  	s0 =	simm.s32 $0x8000  }
0x1b3: {  	[tilespmem:s0], [sflag:$0x1] =	stream.indirect_vreg.gather [hbm4b:s6+s3], $0x80, v3, vm0, $0xb8;
	[tilespmem:$0x1B400] =	vst v63  }
0x1b4: {  	s1 =	simm.s32 $0x8800  }
0x1b5: {  	[tilespmem:s1], [sflag:$0x1] =	stream.indirect_vreg.gather [hbm4b:s7+s3], $0x80, v3, vm0, $0xb8;
	[tilespmem:$0x1B400] =	vst v63  }
0x1b6: {  	s11 =	simm.s32 $0x9000  }
0x1b7: {  	[tilespmem:s11], [sflag:$0x1] =	stream.indirect_vreg.gather [hbm4b:s8+s3], $0x80, v3, vm1, $0xb8;
	[tilespmem:$0x1B400] =	vst v63  }
0x1b8: {  	_ =	swait.ge [sflag:s26], $0x9000  }
0x1b9: {  	[sflag:s26] =	ssyncset.done $0x0  }
0x1ba: {  	[sflag:s26] =	ssyncadd.s32 $0xFFFF7000  }
0x1bb: {  	v3 =	vld [tilespmem:$0x3E0];
	_ =	sdelay $0x4  }
0x1bc: {  	v62 =	vshrl.u32 v3, $0x3  }
0x1bd: {  	v4 =	vmul.u32 $0x48, v62  }
0x1be: {  	v3 =	vand.u32 $0x7, v3  }
0x1bf: {  	v3 =	vor.u32 v3, v4  }
0x1c0: {  	v4 =	vperm.xlane v3, v0;
	_ =	sdelay $0x1  }
0x1c1: {  	v4 =	vadd.s32 v1, v4;
	_ =	sdelay $0x4  }
0x1c2: {  	[tilespmem:s12], [sflag:$0x2] =	stream.indirect_vreg.gather [hbm4b:s2+s3], $0x80, v4, vm0, $0xb8;
	[tilespmem:$0x1B400] =	vst v63  }
0x1c3: {  	s13 =	simm.s32 $0x9C00  }
0x1c4: {  	[tilespmem:s13], [sflag:$0x2] =	stream.indirect_vreg.gather [hbm4b:s5+s3], $0x80, v4, vm0, $0xb8;
	[tilespmem:$0x1B400] =	vst v63  }
0x1c5: {  	s16 =	simm.s32 $0xA400;
	v3 =	vperm.xlane v3, v2  }
0x1c6: {  	[tilespmem:s16], [sflag:$0x2] =	stream.indirect_vreg.gather [hbm4b:s6+s3], $0x80, v4, vm0, $0xb8;
	[tilespmem:$0x1B400] =	vst v63  }
0x1c7: {  	s21 =	simm.s32 $0xAC00;
	v3 =	vadd.s32 v1, v3  }
0x1c8: {  	[tilespmem:s21], [sflag:$0x2] =	stream.indirect_vreg.gather [hbm4b:s7+s3], $0x80, v4, vm0, $0xb8;
	[tilespmem:$0x1B400] =	vst v63  }
0x1c9: {  	s22 =	simm.s32 $0xB400  }
0x1ca: {  	[tilespmem:s22], [sflag:$0x2] =	stream.indirect_vreg.gather [hbm4b:s8+s3], $0x80, v4, vm1, $0xb8;
	[tilespmem:$0x1B400] =	vst v63  }
0x1cb: {  	s23 =	simm.s32 $0xB800  }
0x1cc: {  	[tilespmem:s23], [sflag:$0x2] =	stream.indirect_vreg.gather [hbm4b:s2+s3], $0x80, v3, vm0, $0xb8;
	[tilespmem:$0x1B400] =	vst v63  }
0x1cd: {  	s0 =	simm.s32 $0xC000  }
0x1ce: {  	[tilespmem:s0], [sflag:$0x2] =	stream.indirect_vreg.gather [hbm4b:s5+s3], $0x80, v3, vm0, $0xb8;
	[tilespmem:$0x1B400] =	vst v63  }
0x1cf: {  	s1 =	simm.s32 $0xC800  }
0x1d0: {  	[tilespmem:s1], [sflag:$0x2] =	stream.indirect_vreg.gather [hbm4b:s6+s3], $0x80, v3, vm0, $0xb8;
	[tilespmem:$0x1B400] =	vst v63  }
0x1d1: {  	s11 =	simm.s32 $0xD000  }
0x1d2: {  	[tilespmem:s11], [sflag:$0x2] =	stream.indirect_vreg.gather [hbm4b:s7+s3], $0x80, v3, vm0, $0xb8;
	[tilespmem:$0x1B400] =	vst v63  }
0x1d3: {  	s13 =	simm.s32 $0xD800  }
0x1d4: {  	[tilespmem:s13], [sflag:$0x2] =	stream.indirect_vreg.gather [hbm4b:s8+s3], $0x80, v3, vm1, $0xb8;
	[tilespmem:$0x1B400] =	vst v63  }
0x1d5: {  	v3 =	vld [tilespmem:$0x3F0];
	_ =	sdelay $0x4  }
0x1d6: {  	v63 =	vshrl.u32 v3, $0x3  }
0x1d7: {  	v4 =	vmul.u32 $0x48, v63  }
0x1d8: {  	v3 =	vand.u32 $0x7, v3  }
0x1d9: {  	v3 =	vor.u32 v3, v4  }
0x1da: {  	v4 =	vperm.xlane v3, v0;
	_ =	sdelay $0x1  }
0x1db: {  	v4 =	vadd.s32 v1, v4;
	_ =	sdelay $0x3  }
0x1dc: {  	s16 =	simm.s32 $0xDC00  }
0x1dd: {  	[tilespmem:s16], [sflag:$0x2] =	stream.indirect_vreg.gather [hbm4b:s2+s3], $0x80, v4, vm0, $0xb8;
	[tilespmem:$0x1B400] =	vst v63  }
0x1de: {  	s21 =	simm.s32 $0xE400  }
0x1df: {  	[tilespmem:s21], [sflag:$0x2] =	stream.indirect_vreg.gather [hbm4b:s5+s3], $0x80, v4, vm0, $0xb8;
	[tilespmem:$0x1B400] =	vst v63  }
0x1e0: {  	s22 =	simm.s32 $0xEC00;
	v3 =	vperm.xlane v3, v2  }
0x1e1: {  	[tilespmem:s22], [sflag:$0x2] =	stream.indirect_vreg.gather [hbm4b:s6+s3], $0x80, v4, vm0, $0xb8;
	[tilespmem:$0x1B400] =	vst v63  }
0x1e2: {  	s23 =	simm.s32 $0xF400;
	v3 =	vadd.s32 v1, v3  }
0x1e3: {  	[tilespmem:s23], [sflag:$0x2] =	stream.indirect_vreg.gather [hbm4b:s7+s3], $0x80, v4, vm0, $0xb8;
	[tilespmem:$0x1B400] =	vst v63  }
0x1e4: {  	s0 =	simm.s32 $0xFC00  }
0x1e5: {  	[tilespmem:s0], [sflag:$0x2] =	stream.indirect_vreg.gather [hbm4b:s8+s3], $0x80, v4, vm1, $0xb8;
	[tilespmem:$0x1B400] =	vst v63  }
0x1e6: {  	s1 =	simm.s32 $0x10000  }
0x1e7: {  	[tilespmem:s1], [sflag:$0x2] =	stream.indirect_vreg.gather [hbm4b:s2+s3], $0x80, v3, vm0, $0xb8;
	[tilespmem:$0x1B400] =	vst v63  }
0x1e8: {  	s11 =	simm.s32 $0x10800  }
0x1e9: {  	[tilespmem:s11], [sflag:$0x2] =	stream.indirect_vreg.gather [hbm4b:s5+s3], $0x80, v3, vm0, $0xb8;
	[tilespmem:$0x1B400] =	vst v63  }
0x1ea: {  	s13 =	simm.s32 $0x11000  }
0x1eb: {  	[tilespmem:s13], [sflag:$0x2] =	stream.indirect_vreg.gather [hbm4b:s6+s3], $0x80, v3, vm0, $0xb8;
	[tilespmem:$0x1B400] =	vst v63  }
0x1ec: {  	s16 =	simm.s32 $0x11800  }
0x1ed: {  	[tilespmem:s16], [sflag:$0x2] =	stream.indirect_vreg.gather [hbm4b:s7+s3], $0x80, v3, vm0, $0xb8;
	[tilespmem:$0x1B400] =	vst v63  }
0x1ee: {  	s1 =	simm.s32 $0x12000  }
0x1ef: {  	[tilespmem:s1], [sflag:$0x2] =	stream.indirect_vreg.gather [hbm4b:s8+s3], $0x80, v3, vm1, $0xb8;
	[tilespmem:$0x1B400] =	vst v63  }
0x1f0: {  	_ =	swait.ge [sflag:s24], $0x9000  }
0x1f1: {  	[sflag:s24] =	ssyncset.done $0x0  }
0x1f2: {  	s21 =	rddreg [dreg:$0xb];
	[sflag:s24] =	ssyncadd.s32 $0xFFFF7000  }
0x1f3: {  	[hbm4b:s21+s3] =	stream.linear.scatter [tilespmem:s10], [sflag:$0x4], $0x9000, $0x38;
	[tilespmem:$0x1B400] =	vst v63  }
0x1f4: {  	_ =	swait.ge [sflag:s14], $0x9000  }
0x1f5: {  	[sflag:s14] =	ssyncset.done $0x0  }
0x1f6: {  	s22 =	rddreg [dreg:$0xc];
	[sflag:s14] =	ssyncadd.s32 $0xFFFF7000  }
0x1f7: {  	[hbm4b:s22+s3] =	stream.linear.scatter [tilespmem:s12], [sflag:$0x5], $0x9000, $0x38;
	[tilespmem:$0x1B400] =	vst v63  }
0x1f8: {  	_ =	swait.ge [sflag:s17], $0x9000  }
0x1f9: {  	[sflag:s17] =	ssyncset.done $0x0  }
0x1fa: {  	[sflag:s17] =	ssyncadd.s32 $0xFFFF7000  }
0x1fb: {  	_ =	swait.ge [sflag:s15], $0x9000  }
0x1fc: {  	[sflag:s15] =	ssyncset.done $0x0  }
0x1fd: {  	[sflag:s15] =	ssyncadd.s32 $0xFFFF7000  }
0x1fe: {  	_ =	swait.ge [sflag:s26], $0x9000  }
0x1ff: {  	s0 =	rddreg [dreg:$0xe]  }
0x200: {  	s23 =	rddreg [dreg:$0xd];
	s0 =	sadd.s32 $0x1, s0  }
0x201: {  	s31 =	simm.s32 $0x400;
	s28 =	simm.s32 $0x13C00;
	p0 =	sne.s32 s0, s23  }
.Ltmp1:
0x202: {  	s30 =	simm.s32 $0x14800;
	s11 =	simm.s32 $0x9400;
	(pc) =	sbr.rel @p0 .LBB2_1-.Ltmp1, $4  }
0x203: {  	s13 =	simm.s32 $0x18C00;
	s16 =	simm.s32 $0x19000;
	s1 =	simm.s32 $0x15800  }
0x204: {  	s21 =	simm.s32 $0x16800;
	s10 =	simm.s32 $0x16C00;
	[sflag:s26] =	ssyncset.done $0x0  }
0x205: {  	s22 =	simm.s32 $0x17400;
	s12 =	simm.s32 $0x17C00;
	[sflag:s26] =	ssyncadd.s32 $0xFFFF7000  }
0x206: {  	[dreg:$0xe] =	wrdreg s0;
	s0 =	simm.s32 $0x13400;
	s23 =	simm.s32 $0x18400  }
0x207: {  	_ =	sfence.sel $0x180000  }
0x208: {  	[bflag:$0x0] =	sbarrier.arrive $0xFFFF  }
0x209: {  	_ =	strace $0x90000047  }
0x20a: {  	s0 =	stileid.u32;
	[bflag:$0x2] =	sbarrier.arrive $0xFFFF  }
0x20b: {  	p0 =	sne.s32 s0, $0x0;
	s0 =	rddreg [dreg:$0x3]  }
0x20c: {  	s0 =	sadd.s32 @!p0 $0x100000, s0  }
0x20d: {  	[sflag:s0] =	ssyncadd.tile.s32 @!p0 $0x1;
	_ =	shalt  }
.Lfunc_end2:
_tile_overlayer_lowered:
.L_overlay_start_2:
0x20e: {  	(tag) =	ssettag $0x2  }
0x20f: {  	s0 =	rddreg [dreg:$0x0];
	s2 =	stileid.u32  }
0x210: {  	s1 =	rddreg [dreg:$0x1];
	p0 =	sne.s32 s2, $0x0  }
0x211: {  	s3 =	rddreg [dreg:$0x2];
	[bflag:$0x3] =	sbarrier.arrive $0xFFFF;
	s2 =	simm.s32 @!p0 $0x1C07  }
0x212: {  	[timem:s3], [sflag:s2] =	dma.local @!p0 [hbm:s0], s1  }
0x213: {  	s0 =	simm.s32 @!p0 $0x7  }
0x214: {  	_ =	swait.ge @!p0 [sflag:s0], s1  }
0x215: {  	s1 =	ssub.s32 @!p0 $0x0, s1;
	[sflag:s0] =	ssyncset.done @!p0 $0x0  }
0x216: {  	[sflag:s0] =	ssyncadd.s32 @!p0 s1  }
0x217: {  	[bflag:$0x3] =	sbarrier.arrive $0xFFFF  }
0x218: {  	_ =	shalt  }

</sc_bundles>
